<compile_context>
chip_gen: v7x
topology: tpu7x:2x2x1
jax: 0.10.2.dev20260603
libtpu: 0.0.44.dev20260713+nightly
codegen_flags: <defaults>
</compile_context>

<pallas_src>
import functools

import jax
import jax.numpy as jnp
from jax import lax
from jax.experimental import pallas as pl
from jax.experimental.pallas import tpu as pltpu
from jax.experimental.pallas import tpu_sc as plsc

N = 10000
E = 160000
D = 256
H = 16
C = 10

NC = 2
NS = 16
L = 16
NW = NC * NS

EPT = E // NW
CK = 400
NCK = N // CK

_mesh = plsc.VectorSubcoreMesh(core_axis_name="c", subcore_axis_name="s")
_sc_params = pltpu.CompilerParams(use_tc_tiling_on_sc=False)


def _fill_rows(buf, n_rows, value):
    def body(i, carry):
        for r in range(8):
            buf[i * 8 + r, :] = jnp.full((L,), value, jnp.float32)
        return carry

    lax.fori_loop(0, n_rows // 8, body, 0)


def _zero_acc(zbuf, acc, sid):
    _fill_rows(zbuf, CK, 0.0)
    pltpu.sync_copy(zbuf, acc.at[pl.ds(sid * CK, CK)])

    @pl.when(sid < NCK - NS)
    def _():
        pltpu.sync_copy(zbuf, acc.at[pl.ds((sid + NS) * CK, CK)])


def _copy_out(acc, out_hbm, cid, sid):
    plsc.subcore_barrier()
    pltpu.sync_copy(
        acc.at[pl.ds(sid * CK, CK)],
        out_hbm.at[cid, pl.ds(sid * CK, CK)],
    )

    @pl.when(sid < NCK - NS)
    def _():
        pltpu.sync_copy(
            acc.at[pl.ds((sid + NS) * CK, CK)],
            out_hbm.at[cid, pl.ds((sid + NS) * CK, CK)],
        )


@functools.partial(
    pl.kernel,
    out_type=jax.ShapeDtypeStruct((NC, N, L), jnp.float32),
    mesh=_mesh,
    compiler_params=_sc_params,
    scratch_types=[
        pltpu.VMEM((EPT,), jnp.int32),
        pltpu.VMEM((EPT, L), jnp.float32),
        pltpu.VMEM((CK, L), jnp.float32),
        pltpu.VMEM_SHARED((N, L), jnp.float32),
    ],
)
def _deg_kernel(dst_hbm, out_hbm, idx_d, ones, zbuf, acc):
    cid = lax.axis_index("c")
    sid = lax.axis_index("s")
    wid = cid * NS + sid
    _zero_acc(zbuf, acc, sid)
    _fill_rows(ones, EPT, 1.0)
    pltpu.sync_copy(dst_hbm.at[pl.ds(wid * EPT, EPT)], idx_d)
    plsc.subcore_barrier()
    pltpu.sync_copy(ones, acc.at[idx_d], add=True)
    _copy_out(acc, out_hbm, cid, sid)


EA = 2560
EB = EPT - EA


@functools.partial(
    pl.kernel,
    out_type=jax.ShapeDtypeStruct((NC, N, L), jnp.float32),
    mesh=_mesh,
    compiler_params=_sc_params,
    scratch_types=[
        pltpu.VMEM((EPT,), jnp.int32),
        pltpu.VMEM((EPT,), jnp.int32),
        pltpu.VMEM((EPT, L), jnp.float32),
        pltpu.VMEM((CK, L), jnp.float32),
        pltpu.VMEM_SHARED((N, L), jnp.float32),
        pltpu.SemaphoreType.DMA,
        pltpu.SemaphoreType.DMA,
    ],
)
def _agg_kernel(g_hbm, src_hbm, dst_hbm, out_hbm, idx_s, idx_d, rows, zbuf,
                acc, sem_a, sem_b):
    cid = lax.axis_index("c")
    sid = lax.axis_index("s")
    wid = cid * NS + sid
    pltpu.sync_copy(src_hbm.at[pl.ds(wid * EPT, EPT)], idx_s)
    pltpu.sync_copy(dst_hbm.at[pl.ds(wid * EPT, EPT)], idx_d)
    _zero_acc(zbuf, acc, sid)
    plsc.subcore_barrier()
    cp_a = pltpu.async_copy(
        g_hbm.at[idx_s.at[pl.ds(0, EA)]], rows.at[pl.ds(0, EA)], sem_a)
    cp_b = pltpu.async_copy(
        g_hbm.at[idx_s.at[pl.ds(EA, EB)]], rows.at[pl.ds(EA, EB)], sem_b)
    cp_a.wait()
    pltpu.sync_copy(rows.at[pl.ds(0, EA)],
                    acc.at[idx_d.at[pl.ds(0, EA)]], add=True)
    cp_b.wait()
    pltpu.sync_copy(rows.at[pl.ds(EA, EB)],
                    acc.at[idx_d.at[pl.ds(EA, EB)]], add=True)
    _copy_out(acc, out_hbm, cid, sid)



WN = N // 8


def _tc1_body(x_ref, w1_ref, d0_ref, d1_ref, g1_ref, dinv_ref):
    deg = d0_ref[0] + d1_ref[0] + 1.0
    dinv = lax.rsqrt(deg)
    h = jnp.dot(x_ref[...], w1_ref[...], preferred_element_type=jnp.float32)
    g1_ref[...] = h * dinv
    dinv_ref[...] = dinv


def _tc2_body(a0_ref, a1_ref, g1_ref, dinv_ref, b1_ref, w2_ref, g2_ref):
    dinv = dinv_ref[...]
    out1 = dinv * (a0_ref[0] + a1_ref[0] + g1_ref[...]) + b1_ref[...]
    h2 = jnp.maximum(out1, 0.0)
    g2_ref[...] = jnp.dot(h2, w2_ref[...],
                          preferred_element_type=jnp.float32) * dinv


def _tc3_body(a0_ref, a1_ref, g2_ref, dinv_ref, b2_ref, out_ref):
    out_ref[...] = (dinv_ref[...] * (a0_ref[0] + a1_ref[0] + g2_ref[...])
                    + b2_ref[...])


def _full_spec(shape):
    return pl.BlockSpec(shape, lambda i: tuple(0 for _ in shape))


_wide = pl.BlockSpec((WN, 128), lambda i: (0, 0))
_part0 = pl.BlockSpec((1, WN, 128), lambda i: (0, 0, 0))
_part1 = pl.BlockSpec((1, WN, 128), lambda i: (1, 0, 0))

_tc1 = pl.pallas_call(
    _tc1_body,
    grid=(1,),
    in_specs=[
        pl.BlockSpec((WN, 8 * D), lambda i: (0, 0)),
        pl.BlockSpec((8 * D, 128), lambda i: (0, 0)),
        _part0,
        _part1,
    ],
    out_specs=[_wide, _wide],
    out_shape=[
        jax.ShapeDtypeStruct((WN, 128), jnp.float32),
        jax.ShapeDtypeStruct((WN, 128), jnp.float32),
    ],
)

_tc2 = pl.pallas_call(
    _tc2_body,
    grid=(1,),
    in_specs=[_part0, _part1, _wide, _wide,
              pl.BlockSpec((1, 128), lambda i: (0, 0)),
              pl.BlockSpec((128, 128), lambda i: (0, 0))],
    out_specs=_wide,
    out_shape=jax.ShapeDtypeStruct((WN, 128), jnp.float32),
)

_tc3 = pl.pallas_call(
    _tc3_body,
    grid=(1,),
    in_specs=[_part0, _part1, _wide, _wide,
              pl.BlockSpec((1, 128), lambda i: (0, 0))],
    out_specs=_wide,
    out_shape=jax.ShapeDtypeStruct((WN, 128), jnp.float32),
)


def kernel(x, edge_index, W1, b1, W2, b2):
    ei = edge_index.astype(jnp.int32)
    src = ei[0]
    dst = ei[1]
    xw = jnp.reshape(x, (WN, 8 * D))
    w1bd = jnp.kron(jnp.eye(8, dtype=jnp.float32), W1)
    w2p = jnp.pad(W2, ((0, 0), (0, L - C)))
    w2bd = jnp.kron(jnp.eye(8, dtype=jnp.float32), w2p)
    b1w = jnp.tile(b1, 8).reshape(1, 128)
    b2w = jnp.tile(jnp.pad(b2, (0, L - C)), 8).reshape(1, 128)

    degp = jnp.reshape(_deg_kernel(dst), (NC, WN, 128))
    g1w, dinvw = _tc1(xw, w1bd, degp, degp)
    acc1 = jnp.reshape(_agg_kernel(jnp.reshape(g1w, (N, L)), src, dst),
                       (NC, WN, 128))
    g2w = _tc2(acc1, acc1, g1w, dinvw, b1w, w2bd)
    acc2 = jnp.reshape(_agg_kernel(jnp.reshape(g2w, (N, L)), src, dst),
                       (NC, WN, 128))
    outw = _tc3(acc2, acc2, g2w, dinvw, b2w)
    return jnp.reshape(outw, (N, L))[:, :C]

# --- scband reference (transcript-rebuilt; emitter-appended) ---
"""Pipeline reference for scband-graph-conv-net-37409165148887 (READ-ONLY COPY).

The authoritative reference and input builder live on the scoring server;
editing this copy changes nothing except your own understanding.
"""

import jax, jax.numpy as jnp
import numpy as np

N_NODES = 10000
N_EDGES = 160000
D_FEAT = 256
HIDDEN = 16
N_CLASSES = 10


def gcn_conv(x, edge_index, W, b):
    # Faithful GCNConv: linear transform, add self-loops, symmetric normalization,
    # sum aggregation, bias.
    n = x.shape[0]
    src = edge_index[0]
    dst = edge_index[1]
    loop = jnp.arange(n, dtype=src.dtype)
    src = jnp.concatenate([src, loop], axis=0)
    dst = jnp.concatenate([dst, loop], axis=0)
    h = x @ W
    deg = jnp.zeros((n,), dtype=h.dtype).at[dst].add(1.0)
    dinv = jnp.where(deg > 0, jax.lax.rsqrt(jnp.maximum(deg, 1e-12)), 0.0)
    norm = dinv[src] * dinv[dst]
    msg = h[src] * norm[:, None]
    out = jnp.zeros((n, h.shape[1]), dtype=h.dtype).at[dst].add(msg)
    return out + b


def setup_inputs(seed: int = 0) -> dict:
    key = jax.random.key(seed)
    k1, k2, k3, k4 = jax.random.split(key, 4)
    x = jax.random.normal(k1, (N_NODES, D_FEAT), dtype=jnp.float32)
    edge_index = jax.random.randint(k2, (2, N_EDGES), 0, N_NODES, dtype=jnp.int32)
    W1 = jax.random.normal(k3, (D_FEAT, HIDDEN), dtype=jnp.float32) * (1.0 / np.sqrt(D_FEAT))
    b1 = jnp.zeros((HIDDEN,), dtype=jnp.float32)
    W2 = jax.random.normal(k4, (HIDDEN, N_CLASSES), dtype=jnp.float32) * (1.0 / np.sqrt(HIDDEN))
    b2 = jnp.zeros((N_CLASSES,), dtype=jnp.float32)
    return {"x": x, "edge_index": edge_index, "W1": W1, "b1": b1, "W2": W2, "b2": b2}


def reference(x, edge_index, W1, b1, W2, b2):
    h = gcn_conv(x, edge_index, W1, b1)
    h = jax.nn.relu(h)
    out = gcn_conv(h, edge_index, W2, b2)
    return out

if __name__ == "__main__":
    import jax
    _d = setup_inputs()
    print(jax.jit(kernel)(*tuple(_d.values())))

</pallas_src>

<mosaic_0001>
#map = affine_map<(d0, d1) -> (0)>
#map1 = affine_map<(d0, d1) -> (0, 0, 0)>
module attributes {stable_mosaic.version = 14 : i64} {
  func.func @_deg_kernel(%arg0: i32, %arg1: i32, %arg2: memref<160000xi32, #tpu.memory_space<hbm>>, %arg3: memref<2x10000x16xf32, #tpu.memory_space<hbm>>, %arg4: memref<5000xi32, #tpu.memory_space<vmem>>, %arg5: memref<5000x16xf32, #tpu.memory_space<vmem>>, %arg6: memref<400x16xf32, #tpu.memory_space<vmem>>, %arg7: memref<10000x16xf32, #tpu.memory_space<vmem_shared>>) attributes {dimension_semantics = [#tpu.dimension_semantics<core_parallel>, #tpu.dimension_semantics<subcore_parallel>], iteration_bounds = array<i64: 2, 16>, scalar_prefetch = 0 : i64, scratch_operands = 4 : i64, tpu.core_type = #tpu.core_type<sc_vector_subcore>, window_params = [{transform_indices = #map}, {transform_indices = #map1}]} {
    %mul3A = arith.constant 16 : i32
    %mul3A_0 = arith.muli %arg0, %mul3A : i32
    %add3A = arith.addi %mul3A_0, %arg1 : i32
    %scan3A = arith.constant 0 : i32
    %scan3A_1 = arith.constant 0 : i32
    %scan3A_2 = arith.constant 50 : i32
    %scan3A_3 = arith.addi %scan3A_1, %scan3A_2 : i32
    %scan3A_4 = arith.constant 1 : i32
    scf.for %scan3A_28 = %scan3A_1 to %scan3A_3 step %scan3A_4  : i32 {
      %broadcast_in_dim3A = arith.constant 0.000000e+00 : f32
      %broadcast_in_dim3A_29 = vector.broadcast %broadcast_in_dim3A : f32 to vector<16xf32>
      %mul3A_30 = arith.constant 8 : i32
      %mul3A_31 = arith.muli %scan3A_28, %mul3A_30 : i32
      %add3A_32 = arith.constant 0 : i32
      %add3A_33 = arith.addi %mul3A_31, %add3A_32 : i32
      %swap3A = arith.index_cast %add3A_33 : i32 to index
      %swap3A_34 = arith.constant 0 : index
      %swap3A_35 = tpu.vector_load %arg6[%swap3A, %swap3A_34] {strides = array<i32>} : memref<400x16xf32, #tpu.memory_space<vmem>>, vector<1x16xf32>,
      %swap3A_36 = vector.shape_cast %swap3A_35 : vector<1x16xf32> to vector<16xf32>
      %swap3A_37 = vector.shape_cast %broadcast_in_dim3A_29 : vector<16xf32> to vector<1x16xf32>
      tpu.vector_store %arg6[%swap3A, %swap3A_34], %swap3A_37 {strides = array<i32>} : memref<400x16xf32, #tpu.memory_space<vmem>>, vector<1x16xf32>,
      %broadcast_in_dim3A_38 = arith.constant 0.000000e+00 : f32
      %broadcast_in_dim3A_39 = vector.broadcast %broadcast_in_dim3A_38 : f32 to vector<16xf32>
      %mul3A_40 = arith.constant 8 : i32
      %mul3A_41 = arith.muli %scan3A_28, %mul3A_40 : i32
      %add3A_42 = arith.constant 1 : i32
      %add3A_43 = arith.addi %mul3A_41, %add3A_42 : i32
      %swap3A_44 = arith.index_cast %add3A_43 : i32 to index
      %swap3A_45 = arith.constant 0 : index
      %swap3A_46 = tpu.vector_load %arg6[%swap3A_44, %swap3A_45] {strides = array<i32>} : memref<400x16xf32, #tpu.memory_space<vmem>>, vector<1x16xf32>,
      %swap3A_47 = vector.shape_cast %swap3A_46 : vector<1x16xf32> to vector<16xf32>
      %swap3A_48 = vector.shape_cast %broadcast_in_dim3A_39 : vector<16xf32> to vector<1x16xf32>
      tpu.vector_store %arg6[%swap3A_44, %swap3A_45], %swap3A_48 {strides = array<i32>} : memref<400x16xf32, #tpu.memory_space<vmem>>, vector<1x16xf32>,
      %broadcast_in_dim3A_49 = arith.constant 0.000000e+00 : f32
      %broadcast_in_dim3A_50 = vector.broadcast %broadcast_in_dim3A_49 : f32 to vector<16xf32>
      %mul3A_51 = arith.constant 8 : i32
      %mul3A_52 = arith.muli %scan3A_28, %mul3A_51 : i32
      %add3A_53 = arith.constant 2 : i32
      %add3A_54 = arith.addi %mul3A_52, %add3A_53 : i32
      %swap3A_55 = arith.index_cast %add3A_54 : i32 to index
      %swap3A_56 = arith.constant 0 : index
      %swap3A_57 = tpu.vector_load %arg6[%swap3A_55, %swap3A_56] {strides = array<i32>} : memref<400x16xf32, #tpu.memory_space<vmem>>, vector<1x16xf32>,
      %swap3A_58 = vector.shape_cast %swap3A_57 : vector<1x16xf32> to vector<16xf32>
      %swap3A_59 = vector.shape_cast %broadcast_in_dim3A_50 : vector<16xf32> to vector<1x16xf32>
      tpu.vector_store %arg6[%swap3A_55, %swap3A_56], %swap3A_59 {strides = array<i32>} : memref<400x16xf32, #tpu.memory_space<vmem>>, vector<1x16xf32>,
      %broadcast_in_dim3A_60 = arith.constant 0.000000e+00 : f32
      %broadcast_in_dim3A_61 = vector.broadcast %broadcast_in_dim3A_60 : f32 to vector<16xf32>
      %mul3A_62 = arith.constant 8 : i32
      %mul3A_63 = arith.muli %scan3A_28, %mul3A_62 : i32
      %add3A_64 = arith.constant 3 : i32
      %add3A_65 = arith.addi %mul3A_63, %add3A_64 : i32
      %swap3A_66 = arith.index_cast %add3A_65 : i32 to index
      %swap3A_67 = arith.constant 0 : index
      %swap3A_68 = tpu.vector_load %arg6[%swap3A_66, %swap3A_67] {strides = array<i32>} : memref<400x16xf32, #tpu.memory_space<vmem>>, vector<1x16xf32>,
      %swap3A_69 = vector.shape_cast %swap3A_68 : vector<1x16xf32> to vector<16xf32>
      %swap3A_70 = vector.shape_cast %broadcast_in_dim3A_61 : vector<16xf32> to vector<1x16xf32>
      tpu.vector_store %arg6[%swap3A_66, %swap3A_67], %swap3A_70 {strides = array<i32>} : memref<400x16xf32, #tpu.memory_space<vmem>>, vector<1x16xf32>,
      %broadcast_in_dim3A_71 = arith.constant 0.000000e+00 : f32
      %broadcast_in_dim3A_72 = vector.broadcast %broadcast_in_dim3A_71 : f32 to vector<16xf32>
      %mul3A_73 = arith.constant 8 : i32
      %mul3A_74 = arith.muli %scan3A_28, %mul3A_73 : i32
      %add3A_75 = arith.constant 4 : i32
      %add3A_76 = arith.addi %mul3A_74, %add3A_75 : i32
      %swap3A_77 = arith.index_cast %add3A_76 : i32 to index
      %swap3A_78 = arith.constant 0 : index
      %swap3A_79 = tpu.vector_load %arg6[%swap3A_77, %swap3A_78] {strides = array<i32>} : memref<400x16xf32, #tpu.memory_space<vmem>>, vector<1x16xf32>,
      %swap3A_80 = vector.shape_cast %swap3A_79 : vector<1x16xf32> to vector<16xf32>
      %swap3A_81 = vector.shape_cast %broadcast_in_dim3A_72 : vector<16xf32> to vector<1x16xf32>
      tpu.vector_store %arg6[%swap3A_77, %swap3A_78], %swap3A_81 {strides = array<i32>} : memref<400x16xf32, #tpu.memory_space<vmem>>, vector<1x16xf32>,
      %broadcast_in_dim3A_82 = arith.constant 0.000000e+00 : f32
      %broadcast_in_dim3A_83 = vector.broadcast %broadcast_in_dim3A_82 : f32 to vector<16xf32>
      %mul3A_84 = arith.constant 8 : i32
      %mul3A_85 = arith.muli %scan3A_28, %mul3A_84 : i32
      %add3A_86 = arith.constant 5 : i32
      %add3A_87 = arith.addi %mul3A_85, %add3A_86 : i32
      %swap3A_88 = arith.index_cast %add3A_87 : i32 to index
      %swap3A_89 = arith.constant 0 : index
      %swap3A_90 = tpu.vector_load %arg6[%swap3A_88, %swap3A_89] {strides = array<i32>} : memref<400x16xf32, #tpu.memory_space<vmem>>, vector<1x16xf32>,
      %swap3A_91 = vector.shape_cast %swap3A_90 : vector<1x16xf32> to vector<16xf32>
      %swap3A_92 = vector.shape_cast %broadcast_in_dim3A_83 : vector<16xf32> to vector<1x16xf32>
      tpu.vector_store %arg6[%swap3A_88, %swap3A_89], %swap3A_92 {strides = array<i32>} : memref<400x16xf32, #tpu.memory_space<vmem>>, vector<1x16xf32>,
      %broadcast_in_dim3A_93 = arith.constant 0.000000e+00 : f32
      %broadcast_in_dim3A_94 = vector.broadcast %broadcast_in_dim3A_93 : f32 to vector<16xf32>
      %mul3A_95 = arith.constant 8 : i32
      %mul3A_96 = arith.muli %scan3A_28, %mul3A_95 : i32
      %add3A_97 = arith.constant 6 : i32
      %add3A_98 = arith.addi %mul3A_96, %add3A_97 : i32
      %swap3A_99 = arith.index_cast %add3A_98 : i32 to index
      %swap3A_100 = arith.constant 0 : index
      %swap3A_101 = tpu.vector_load %arg6[%swap3A_99, %swap3A_100] {strides = array<i32>} : memref<400x16xf32, #tpu.memory_space<vmem>>, vector<1x16xf32>,
      %swap3A_102 = vector.shape_cast %swap3A_101 : vector<1x16xf32> to vector<16xf32>
      %swap3A_103 = vector.shape_cast %broadcast_in_dim3A_94 : vector<16xf32> to vector<1x16xf32>
      tpu.vector_store %arg6[%swap3A_99, %swap3A_100], %swap3A_103 {strides = array<i32>} : memref<400x16xf32, #tpu.memory_space<vmem>>, vector<1x16xf32>,
      %broadcast_in_dim3A_104 = arith.constant 0.000000e+00 : f32
      %broadcast_in_dim3A_105 = vector.broadcast %broadcast_in_dim3A_104 : f32 to vector<16xf32>
      %mul3A_106 = arith.constant 8 : i32
      %mul3A_107 = arith.muli %scan3A_28, %mul3A_106 : i32
      %add3A_108 = arith.constant 7 : i32
      %add3A_109 = arith.addi %mul3A_107, %add3A_108 : i32
      %swap3A_110 = arith.index_cast %add3A_109 : i32 to index
      %swap3A_111 = arith.constant 0 : index
      %swap3A_112 = tpu.vector_load %arg6[%swap3A_110, %swap3A_111] {strides = array<i32>} : memref<400x16xf32, #tpu.memory_space<vmem>>, vector<1x16xf32>,
      %swap3A_113 = vector.shape_cast %swap3A_112 : vector<1x16xf32> to vector<16xf32>
      %swap3A_114 = vector.shape_cast %broadcast_in_dim3A_105 : vector<16xf32> to vector<1x16xf32>
      tpu.vector_store %arg6[%swap3A_110, %swap3A_111], %swap3A_114 {strides = array<i32>} : memref<400x16xf32, #tpu.memory_space<vmem>>, vector<1x16xf32>,
    }
    %scan3A_5 = arith.constant 50 : i32
    %mul3A_6 = arith.constant 400 : i32
    %mul3A_7 = arith.muli %arg1, %mul3A_6 : i32
    "tpu.region"() ({
      %run_scoped3A = tpu.sem_alloc : memref<!tpu.dma_semaphore, #tpu.memory_space<semaphore_mem>>
      %dma_start3A = arith.constant 0 : i32
      %dma_start3A_28 = tpu.memref_slice %arg7[%mul3A_7, %dma_start3A] : memref<10000x16xf32, #tpu.memory_space<vmem_shared>> -> memref<400x16xf32, #tpu.memory_space<vmem_shared>>
      %dma_start3A_29 = arith.constant 0 : i32
      %dma_start3A_30 = tpu.memref_slice %arg7[%mul3A_7, %dma_start3A_29] : memref<10000x16xf32, #tpu.memory_space<vmem_shared>> -> memref<400x16xf32, #tpu.memory_space<vmem_shared>>
      tpu.enqueue_dma source(%arg6 : memref<400x16xf32, #tpu.memory_space<vmem>>) target(%dma_start3A_30 : memref<400x16xf32, #tpu.memory_space<vmem_shared>>) target_semaphore(%run_scoped3A : memref<!tpu.dma_semaphore, #tpu.memory_space<semaphore_mem>>)
      %dma_wait3A = arith.constant 0 : i32
      %dma_wait3A_31 = tpu.memref_slice %arg7[%mul3A_7, %dma_wait3A] : memref<10000x16xf32, #tpu.memory_space<vmem_shared>> -> memref<400x16xf32, #tpu.memory_space<vmem_shared>>
      %dma_wait3A_32 = arith.constant 0 : i32
      %dma_wait3A_33 = tpu.memref_slice %arg7[%mul3A_7, %dma_wait3A_32] : memref<10000x16xf32, #tpu.memory_space<vmem_shared>> -> memref<400x16xf32, #tpu.memory_space<vmem_shared>>
      tpu.wait_dma2 semaphore(%run_scoped3A : memref<!tpu.dma_semaphore, #tpu.memory_space<semaphore_mem>>) src(%arg6 : memref<400x16xf32, #tpu.memory_space<vmem>>) dst(%dma_wait3A_33 : memref<400x16xf32, #tpu.memory_space<vmem_shared>>)
      tpu.yield
    }) : () -> ()
    %lt3A = arith.constant 9 : i32
    %lt3A_8 = arith.cmpi slt, %arg1, %lt3A : i32
    %convert_element_type3A = arith.extui %lt3A_8 : i1 to i32
    %cond3A = arith.constant 0 : i32
    %cond3A_9 = arith.cmpi ne, %convert_element_type3A, %cond3A : i32
    scf.if %cond3A_9 {
      %add3A_28 = arith.constant 16 : i32
      %add3A_29 = arith.addi %arg1, %add3A_28 : i32
      %mul3A_30 = arith.constant 400 : i32
      %mul3A_31 = arith.muli %add3A_29, %mul3A_30 : i32
      "tpu.region"() ({
        %run_scoped3A = tpu.sem_alloc : memref<!tpu.dma_semaphore, #tpu.memory_space<semaphore_mem>>
        %dma_start3A = arith.constant 0 : i32
        %dma_start3A_32 = tpu.memref_slice %arg7[%mul3A_31, %dma_start3A] : memref<10000x16xf32, #tpu.memory_space<vmem_shared>> -> memref<400x16xf32, #tpu.memory_space<vmem_shared>>
        %dma_start3A_33 = arith.constant 0 : i32
        %dma_start3A_34 = tpu.memref_slice %arg7[%mul3A_31, %dma_start3A_33] : memref<10000x16xf32, #tpu.memory_space<vmem_shared>> -> memref<400x16xf32, #tpu.memory_space<vmem_shared>>
        tpu.enqueue_dma source(%arg6 : memref<400x16xf32, #tpu.memory_space<vmem>>) target(%dma_start3A_34 : memref<400x16xf32, #tpu.memory_space<vmem_shared>>) target_semaphore(%run_scoped3A : memref<!tpu.dma_semaphore, #tpu.memory_space<semaphore_mem>>)
        %dma_wait3A = arith.constant 0 : i32
        %dma_wait3A_35 = tpu.memref_slice %arg7[%mul3A_31, %dma_wait3A] : memref<10000x16xf32, #tpu.memory_space<vmem_shared>> -> memref<400x16xf32, #tpu.memory_space<vmem_shared>>
        %dma_wait3A_36 = arith.constant 0 : i32
        %dma_wait3A_37 = tpu.memref_slice %arg7[%mul3A_31, %dma_wait3A_36] : memref<10000x16xf32, #tpu.memory_space<vmem_shared>> -> memref<400x16xf32, #tpu.memory_space<vmem_shared>>
        tpu.wait_dma2 semaphore(%run_scoped3A : memref<!tpu.dma_semaphore, #tpu.memory_space<semaphore_mem>>) src(%arg6 : memref<400x16xf32, #tpu.memory_space<vmem>>) dst(%dma_wait3A_37 : memref<400x16xf32, #tpu.memory_space<vmem_shared>>)
        tpu.yield
      }) : () -> ()
    } else {
    }
    %scan3A_10 = arith.constant 0 : i32
    %scan3A_11 = arith.constant 0 : i32
    %scan3A_12 = arith.constant 625 : i32
    %scan3A_13 = arith.addi %scan3A_11, %scan3A_12 : i32
    %scan3A_14 = arith.constant 1 : i32
    scf.for %scan3A_28 = %scan3A_11 to %scan3A_13 step %scan3A_14  : i32 {
      %broadcast_in_dim3A = arith.constant 1.000000e+00 : f32
      %broadcast_in_dim3A_29 = vector.broadcast %broadcast_in_dim3A : f32 to vector<16xf32>
      %mul3A_30 = arith.constant 8 : i32
      %mul3A_31 = arith.muli %scan3A_28, %mul3A_30 : i32
      %add3A_32 = arith.constant 0 : i32
      %add3A_33 = arith.addi %mul3A_31, %add3A_32 : i32
      %swap3A = arith.index_cast %add3A_33 : i32 to index
      %swap3A_34 = arith.constant 0 : index
      %swap3A_35 = tpu.vector_load %arg5[%swap3A, %swap3A_34] {strides = array<i32>} : memref<5000x16xf32, #tpu.memory_space<vmem>>, vector<1x16xf32>,
      %swap3A_36 = vector.shape_cast %swap3A_35 : vector<1x16xf32> to vector<16xf32>
      %swap3A_37 = vector.shape_cast %broadcast_in_dim3A_29 : vector<16xf32> to vector<1x16xf32>
      tpu.vector_store %arg5[%swap3A, %swap3A_34], %swap3A_37 {strides = array<i32>} : memref<5000x16xf32, #tpu.memory_space<vmem>>, vector<1x16xf32>,
      %broadcast_in_dim3A_38 = arith.constant 1.000000e+00 : f32
      %broadcast_in_dim3A_39 = vector.broadcast %broadcast_in_dim3A_38 : f32 to vector<16xf32>
      %mul3A_40 = arith.constant 8 : i32
      %mul3A_41 = arith.muli %scan3A_28, %mul3A_40 : i32
      %add3A_42 = arith.constant 1 : i32
      %add3A_43 = arith.addi %mul3A_41, %add3A_42 : i32
      %swap3A_44 = arith.index_cast %add3A_43 : i32 to index
      %swap3A_45 = arith.constant 0 : index
      %swap3A_46 = tpu.vector_load %arg5[%swap3A_44, %swap3A_45] {strides = array<i32>} : memref<5000x16xf32, #tpu.memory_space<vmem>>, vector<1x16xf32>,
      %swap3A_47 = vector.shape_cast %swap3A_46 : vector<1x16xf32> to vector<16xf32>
      %swap3A_48 = vector.shape_cast %broadcast_in_dim3A_39 : vector<16xf32> to vector<1x16xf32>
      tpu.vector_store %arg5[%swap3A_44, %swap3A_45], %swap3A_48 {strides = array<i32>} : memref<5000x16xf32, #tpu.memory_space<vmem>>, vector<1x16xf32>,
      %broadcast_in_dim3A_49 = arith.constant 1.000000e+00 : f32
      %broadcast_in_dim3A_50 = vector.broadcast %broadcast_in_dim3A_49 : f32 to vector<16xf32>
      %mul3A_51 = arith.constant 8 : i32
      %mul3A_52 = arith.muli %scan3A_28, %mul3A_51 : i32
      %add3A_53 = arith.constant 2 : i32
      %add3A_54 = arith.addi %mul3A_52, %add3A_53 : i32
      %swap3A_55 = arith.index_cast %add3A_54 : i32 to index
      %swap3A_56 = arith.constant 0 : index
      %swap3A_57 = tpu.vector_load %arg5[%swap3A_55, %swap3A_56] {strides = array<i32>} : memref<5000x16xf32, #tpu.memory_space<vmem>>, vector<1x16xf32>,
      %swap3A_58 = vector.shape_cast %swap3A_57 : vector<1x16xf32> to vector<16xf32>
      %swap3A_59 = vector.shape_cast %broadcast_in_dim3A_50 : vector<16xf32> to vector<1x16xf32>
      tpu.vector_store %arg5[%swap3A_55, %swap3A_56], %swap3A_59 {strides = array<i32>} : memref<5000x16xf32, #tpu.memory_space<vmem>>, vector<1x16xf32>,
      %broadcast_in_dim3A_60 = arith.constant 1.000000e+00 : f32
      %broadcast_in_dim3A_61 = vector.broadcast %broadcast_in_dim3A_60 : f32 to vector<16xf32>
      %mul3A_62 = arith.constant 8 : i32
      %mul3A_63 = arith.muli %scan3A_28, %mul3A_62 : i32
      %add3A_64 = arith.constant 3 : i32
      %add3A_65 = arith.addi %mul3A_63, %add3A_64 : i32
      %swap3A_66 = arith.index_cast %add3A_65 : i32 to index
      %swap3A_67 = arith.constant 0 : index
      %swap3A_68 = tpu.vector_load %arg5[%swap3A_66, %swap3A_67] {strides = array<i32>} : memref<5000x16xf32, #tpu.memory_space<vmem>>, vector<1x16xf32>,
      %swap3A_69 = vector.shape_cast %swap3A_68 : vector<1x16xf32> to vector<16xf32>
      %swap3A_70 = vector.shape_cast %broadcast_in_dim3A_61 : vector<16xf32> to vector<1x16xf32>
      tpu.vector_store %arg5[%swap3A_66, %swap3A_67], %swap3A_70 {strides = array<i32>} : memref<5000x16xf32, #tpu.memory_space<vmem>>, vector<1x16xf32>,
      %broadcast_in_dim3A_71 = arith.constant 1.000000e+00 : f32
      %broadcast_in_dim3A_72 = vector.broadcast %broadcast_in_dim3A_71 : f32 to vector<16xf32>
      %mul3A_73 = arith.constant 8 : i32
      %mul3A_74 = arith.muli %scan3A_28, %mul3A_73 : i32
      %add3A_75 = arith.constant 4 : i32
      %add3A_76 = arith.addi %mul3A_74, %add3A_75 : i32
      %swap3A_77 = arith.index_cast %add3A_76 : i32 to index
      %swap3A_78 = arith.constant 0 : index
      %swap3A_79 = tpu.vector_load %arg5[%swap3A_77, %swap3A_78] {strides = array<i32>} : memref<5000x16xf32, #tpu.memory_space<vmem>>, vector<1x16xf32>,
      %swap3A_80 = vector.shape_cast %swap3A_79 : vector<1x16xf32> to vector<16xf32>
      %swap3A_81 = vector.shape_cast %broadcast_in_dim3A_72 : vector<16xf32> to vector<1x16xf32>
      tpu.vector_store %arg5[%swap3A_77, %swap3A_78], %swap3A_81 {strides = array<i32>} : memref<5000x16xf32, #tpu.memory_space<vmem>>, vector<1x16xf32>,
      %broadcast_in_dim3A_82 = arith.constant 1.000000e+00 : f32
      %broadcast_in_dim3A_83 = vector.broadcast %broadcast_in_dim3A_82 : f32 to vector<16xf32>
      %mul3A_84 = arith.constant 8 : i32
      %mul3A_85 = arith.muli %scan3A_28, %mul3A_84 : i32
      %add3A_86 = arith.constant 5 : i32
      %add3A_87 = arith.addi %mul3A_85, %add3A_86 : i32
      %swap3A_88 = arith.index_cast %add3A_87 : i32 to index
      %swap3A_89 = arith.constant 0 : index
      %swap3A_90 = tpu.vector_load %arg5[%swap3A_88, %swap3A_89] {strides = array<i32>} : memref<5000x16xf32, #tpu.memory_space<vmem>>, vector<1x16xf32>,
      %swap3A_91 = vector.shape_cast %swap3A_90 : vector<1x16xf32> to vector<16xf32>
      %swap3A_92 = vector.shape_cast %broadcast_in_dim3A_83 : vector<16xf32> to vector<1x16xf32>
      tpu.vector_store %arg5[%swap3A_88, %swap3A_89], %swap3A_92 {strides = array<i32>} : memref<5000x16xf32, #tpu.memory_space<vmem>>, vector<1x16xf32>,
      %broadcast_in_dim3A_93 = arith.constant 1.000000e+00 : f32
      %broadcast_in_dim3A_94 = vector.broadcast %broadcast_in_dim3A_93 : f32 to vector<16xf32>
      %mul3A_95 = arith.constant 8 : i32
      %mul3A_96 = arith.muli %scan3A_28, %mul3A_95 : i32
      %add3A_97 = arith.constant 6 : i32
      %add3A_98 = arith.addi %mul3A_96, %add3A_97 : i32
      %swap3A_99 = arith.index_cast %add3A_98 : i32 to index
      %swap3A_100 = arith.constant 0 : index
      %swap3A_101 = tpu.vector_load %arg5[%swap3A_99, %swap3A_100] {strides = array<i32>} : memref<5000x16xf32, #tpu.memory_space<vmem>>, vector<1x16xf32>,
      %swap3A_102 = vector.shape_cast %swap3A_101 : vector<1x16xf32> to vector<16xf32>
      %swap3A_103 = vector.shape_cast %broadcast_in_dim3A_94 : vector<16xf32> to vector<1x16xf32>
      tpu.vector_store %arg5[%swap3A_99, %swap3A_100], %swap3A_103 {strides = array<i32>} : memref<5000x16xf32, #tpu.memory_space<vmem>>, vector<1x16xf32>,
      %broadcast_in_dim3A_104 = arith.constant 1.000000e+00 : f32
      %broadcast_in_dim3A_105 = vector.broadcast %broadcast_in_dim3A_104 : f32 to vector<16xf32>
      %mul3A_106 = arith.constant 8 : i32
      %mul3A_107 = arith.muli %scan3A_28, %mul3A_106 : i32
      %add3A_108 = arith.constant 7 : i32
      %add3A_109 = arith.addi %mul3A_107, %add3A_108 : i32
      %swap3A_110 = arith.index_cast %add3A_109 : i32 to index
      %swap3A_111 = arith.constant 0 : index
      %swap3A_112 = tpu.vector_load %arg5[%swap3A_110, %swap3A_111] {strides = array<i32>} : memref<5000x16xf32, #tpu.memory_space<vmem>>, vector<1x16xf32>,
      %swap3A_113 = vector.shape_cast %swap3A_112 : vector<1x16xf32> to vector<16xf32>
      %swap3A_114 = vector.shape_cast %broadcast_in_dim3A_105 : vector<16xf32> to vector<1x16xf32>
      tpu.vector_store %arg5[%swap3A_110, %swap3A_111], %swap3A_114 {strides = array<i32>} : memref<5000x16xf32, #tpu.memory_space<vmem>>, vector<1x16xf32>,
    }
    %scan3A_15 = arith.constant 625 : i32
    %mul3A_16 = arith.constant 5000 : i32
    %mul3A_17 = arith.muli %add3A, %mul3A_16 : i32
    "tpu.region"() ({
      %run_scoped3A = tpu.sem_alloc : memref<!tpu.dma_semaphore, #tpu.memory_space<semaphore_mem>>
      %dma_start3A = tpu.memref_slice %arg2[%mul3A_17] : memref<160000xi32, #tpu.memory_space<hbm>> -> memref<5000xi32, #tpu.memory_space<hbm>>
      %dma_start3A_28 = tpu.memref_slice %arg2[%mul3A_17] : memref<160000xi32, #tpu.memory_space<hbm>> -> memref<5000xi32, #tpu.memory_space<hbm>>
      tpu.enqueue_dma source(%dma_start3A_28 : memref<5000xi32, #tpu.memory_space<hbm>>) target(%arg4 : memref<5000xi32, #tpu.memory_space<vmem>>) target_semaphore(%run_scoped3A : memref<!tpu.dma_semaphore, #tpu.memory_space<semaphore_mem>>)
      %dma_wait3A = tpu.memref_slice %arg2[%mul3A_17] : memref<160000xi32, #tpu.memory_space<hbm>> -> memref<5000xi32, #tpu.memory_space<hbm>>
      %dma_wait3A_29 = tpu.memref_slice %arg2[%mul3A_17] : memref<160000xi32, #tpu.memory_space<hbm>> -> memref<5000xi32, #tpu.memory_space<hbm>>
      tpu.wait_dma2 semaphore(%run_scoped3A : memref<!tpu.dma_semaphore, #tpu.memory_space<semaphore_mem>>) src(%dma_wait3A_29 : memref<5000xi32, #tpu.memory_space<hbm>>) dst(%arg4 : memref<5000xi32, #tpu.memory_space<vmem>>)
      tpu.yield
    }) : () -> ()
    %barrier3A = arith.constant 0 : index
    tpu.barrier barrier_id(%barrier3A)
    "tpu.region"() ({
      %run_scoped3A = tpu.sem_alloc : memref<!tpu.dma_semaphore, #tpu.memory_space<semaphore_mem>>
      %dma_start3A = arith.constant 0 : i32
      %dma_start3A_28 = arith.constant 0 : i32
      %dma_start3A_29 = tpu.memref_slice %arg7[%dma_start3A, %dma_start3A_28] : memref<10000x16xf32, #tpu.memory_space<vmem_shared>> -> memref<10000x16xf32, #tpu.memory_space<vmem_shared>>
      tpu.enqueue_indirect_dma source(%arg5 : memref<5000x16xf32, #tpu.memory_space<vmem>>) target(%dma_start3A_29 : memref<10000x16xf32, #tpu.memory_space<vmem_shared>>) offsets(%arg4 : memref<5000xi32, #tpu.memory_space<vmem>>) semaphore(%run_scoped3A : memref<!tpu.dma_semaphore, #tpu.memory_space<semaphore_mem>>) {add = true}
      %dma_wait3A = arith.constant 0 : i32
      %dma_wait3A_30 = arith.constant 0 : i32
      %dma_wait3A_31 = tpu.memref_slice %arg7[%dma_wait3A, %dma_wait3A_30] : memref<10000x16xf32, #tpu.memory_space<vmem_shared>> -> memref<10000x16xf32, #tpu.memory_space<vmem_shared>>
      tpu.wait_indirect_dma semaphore(%run_scoped3A : memref<!tpu.dma_semaphore, #tpu.memory_space<semaphore_mem>>) src(%arg5 : memref<5000x16xf32, #tpu.memory_space<vmem>>) dst(%dma_wait3A_31 : memref<10000x16xf32, #tpu.memory_space<vmem_shared>>)
      tpu.yield
    }) : () -> ()
    %barrier3A_18 = arith.constant 0 : index
    tpu.barrier barrier_id(%barrier3A_18)
    %mul3A_19 = arith.constant 400 : i32
    %mul3A_20 = arith.muli %arg1, %mul3A_19 : i32
    %mul3A_21 = arith.constant 400 : i32
    %mul3A_22 = arith.muli %arg1, %mul3A_21 : i32
    "tpu.region"() ({
      %run_scoped3A = tpu.sem_alloc : memref<!tpu.dma_semaphore, #tpu.memory_space<semaphore_mem>>
      %dma_start3A = arith.constant 0 : i32
      %dma_start3A_28 = tpu.memref_slice %arg3[%arg0, %mul3A_22, %dma_start3A] : memref<2x10000x16xf32, #tpu.memory_space<hbm>> -> memref<1x400x16xf32, #tpu.memory_space<hbm>>
      %dma_start3A_29 = tpu.memref_squeeze %dma_start3A_28 : memref<1x400x16xf32, #tpu.memory_space<hbm>> -> memref<400x16xf32, #tpu.memory_space<hbm>>
      %dma_start3A_30 = arith.constant 0 : i32
      %dma_start3A_31 = tpu.memref_slice %arg7[%mul3A_20, %dma_start3A_30] : memref<10000x16xf32, #tpu.memory_space<vmem_shared>> -> memref<400x16xf32, #tpu.memory_space<vmem_shared>>
      tpu.enqueue_dma source(%dma_start3A_31 : memref<400x16xf32, #tpu.memory_space<vmem_shared>>) target(%dma_start3A_29 : memref<400x16xf32, #tpu.memory_space<hbm>>) target_semaphore(%run_scoped3A : memref<!tpu.dma_semaphore, #tpu.memory_space<semaphore_mem>>)
      %dma_wait3A = arith.constant 0 : i32
      %dma_wait3A_32 = tpu.memref_slice %arg3[%arg0, %mul3A_22, %dma_wait3A] : memref<2x10000x16xf32, #tpu.memory_space<hbm>> -> memref<1x400x16xf32, #tpu.memory_space<hbm>>
      %dma_wait3A_33 = tpu.memref_squeeze %dma_wait3A_32 : memref<1x400x16xf32, #tpu.memory_space<hbm>> -> memref<400x16xf32, #tpu.memory_space<hbm>>
      %dma_wait3A_34 = arith.constant 0 : i32
      %dma_wait3A_35 = tpu.memref_slice %arg7[%mul3A_20, %dma_wait3A_34] : memref<10000x16xf32, #tpu.memory_space<vmem_shared>> -> memref<400x16xf32, #tpu.memory_space<vmem_shared>>
      tpu.wait_dma2 semaphore(%run_scoped3A : memref<!tpu.dma_semaphore, #tpu.memory_space<semaphore_mem>>) src(%dma_wait3A_35 : memref<400x16xf32, #tpu.memory_space<vmem_shared>>) dst(%dma_wait3A_33 : memref<400x16xf32, #tpu.memory_space<hbm>>)
      tpu.yield
    }) : () -> ()
    %lt3A_23 = arith.constant 9 : i32
    %lt3A_24 = arith.cmpi slt, %arg1, %lt3A_23 : i32
    %convert_element_type3A_25 = arith.extui %lt3A_24 : i1 to i32
    %cond3A_26 = arith.constant 0 : i32
    %cond3A_27 = arith.cmpi ne, %convert_element_type3A_25, %cond3A_26 : i32
    scf.if %cond3A_27 {
      %add3A_28 = arith.constant 16 : i32
      %add3A_29 = arith.addi %arg1, %add3A_28 : i32
      %mul3A_30 = arith.constant 400 : i32
      %mul3A_31 = arith.muli %add3A_29, %mul3A_30 : i32
      %add3A_32 = arith.constant 16 : i32
      %add3A_33 = arith.addi %arg1, %add3A_32 : i32
      %mul3A_34 = arith.constant 400 : i32
      %mul3A_35 = arith.muli %add3A_33, %mul3A_34 : i32
      "tpu.region"() ({
        %run_scoped3A = tpu.sem_alloc : memref<!tpu.dma_semaphore, #tpu.memory_space<semaphore_mem>>
        %dma_start3A = arith.constant 0 : i32
        %dma_start3A_36 = tpu.memref_slice %arg3[%arg0, %mul3A_35, %dma_start3A] : memref<2x10000x16xf32, #tpu.memory_space<hbm>> -> memref<1x400x16xf32, #tpu.memory_space<hbm>>
        %dma_start3A_37 = tpu.memref_squeeze %dma_start3A_36 : memref<1x400x16xf32, #tpu.memory_space<hbm>> -> memref<400x16xf32, #tpu.memory_space<hbm>>
        %dma_start3A_38 = arith.constant 0 : i32
        %dma_start3A_39 = tpu.memref_slice %arg7[%mul3A_31, %dma_start3A_38] : memref<10000x16xf32, #tpu.memory_space<vmem_shared>> -> memref<400x16xf32, #tpu.memory_space<vmem_shared>>
        tpu.enqueue_dma source(%dma_start3A_39 : memref<400x16xf32, #tpu.memory_space<vmem_shared>>) target(%dma_start3A_37 : memref<400x16xf32, #tpu.memory_space<hbm>>) target_semaphore(%run_scoped3A : memref<!tpu.dma_semaphore, #tpu.memory_space<semaphore_mem>>)
        %dma_wait3A = arith.constant 0 : i32
        %dma_wait3A_40 = tpu.memref_slice %arg3[%arg0, %mul3A_35, %dma_wait3A] : memref<2x10000x16xf32, #tpu.memory_space<hbm>> -> memref<1x400x16xf32, #tpu.memory_space<hbm>>
        %dma_wait3A_41 = tpu.memref_squeeze %dma_wait3A_40 : memref<1x400x16xf32, #tpu.memory_space<hbm>> -> memref<400x16xf32, #tpu.memory_space<hbm>>
        %dma_wait3A_42 = arith.constant 0 : i32
        %dma_wait3A_43 = tpu.memref_slice %arg7[%mul3A_31, %dma_wait3A_42] : memref<10000x16xf32, #tpu.memory_space<vmem_shared>> -> memref<400x16xf32, #tpu.memory_space<vmem_shared>>
        tpu.wait_dma2 semaphore(%run_scoped3A : memref<!tpu.dma_semaphore, #tpu.memory_space<semaphore_mem>>) src(%dma_wait3A_43 : memref<400x16xf32, #tpu.memory_space<vmem_shared>>) dst(%dma_wait3A_41 : memref<400x16xf32, #tpu.memory_space<hbm>>)
        tpu.yield
      }) : () -> ()
    } else {
    }
    return
  }
}

#map = affine_map<(d0, d1) -> (0, 0)>
#map1 = affine_map<(d0, d1) -> (0)>
#map2 = affine_map<(d0, d1) -> (0, 0, 0)>
module attributes {stable_mosaic.version = 14 : i64} {
  func.func @_agg_kernel(%arg0: i32, %arg1: i32, %arg2: memref<10000x16xf32, #tpu.memory_space<hbm>>, %arg3: memref<160000xi32, #tpu.memory_space<hbm>>, %arg4: memref<160000xi32, #tpu.memory_space<hbm>>, %arg5: memref<2x10000x16xf32, #tpu.memory_space<hbm>>, %arg6: memref<5000xi32, #tpu.memory_space<vmem>>, %arg7: memref<5000xi32, #tpu.memory_space<vmem>>, %arg8: memref<5000x16xf32, #tpu.memory_space<vmem>>, %arg9: memref<400x16xf32, #tpu.memory_space<vmem>>, %arg10: memref<10000x16xf32, #tpu.memory_space<vmem_shared>>, %arg11: memref<!tpu.dma_semaphore, #tpu.memory_space<semaphore_mem>>, %arg12: memref<!tpu.dma_semaphore, #tpu.memory_space<semaphore_mem>>) attributes {dimension_semantics = [#tpu.dimension_semantics<core_parallel>, #tpu.dimension_semantics<subcore_parallel>], iteration_bounds = array<i64: 2, 16>, scalar_prefetch = 0 : i64, scratch_operands = 7 : i64, tpu.core_type = #tpu.core_type<sc_vector_subcore>, window_params = [{transform_indices = #map}, {transform_indices = #map1}, {transform_indices = #map1}, {transform_indices = #map2}]} {
    %mul3A = arith.constant 16 : i32
    %mul3A_0 = arith.muli %arg0, %mul3A : i32
    %add3A = arith.addi %mul3A_0, %arg1 : i32
    %mul3A_1 = arith.constant 5000 : i32
    %mul3A_2 = arith.muli %add3A, %mul3A_1 : i32
    "tpu.region"() ({
      %run_scoped3A = tpu.sem_alloc : memref<!tpu.dma_semaphore, #tpu.memory_space<semaphore_mem>>
      %dma_start3A_54 = tpu.memref_slice %arg3[%mul3A_2] : memref<160000xi32, #tpu.memory_space<hbm>> -> memref<5000xi32, #tpu.memory_space<hbm>>
      %dma_start3A_55 = tpu.memref_slice %arg3[%mul3A_2] : memref<160000xi32, #tpu.memory_space<hbm>> -> memref<5000xi32, #tpu.memory_space<hbm>>
      tpu.enqueue_dma source(%dma_start3A_55 : memref<5000xi32, #tpu.memory_space<hbm>>) target(%arg6 : memref<5000xi32, #tpu.memory_space<vmem>>) target_semaphore(%run_scoped3A : memref<!tpu.dma_semaphore, #tpu.memory_space<semaphore_mem>>)
      %dma_wait3A_56 = tpu.memref_slice %arg3[%mul3A_2] : memref<160000xi32, #tpu.memory_space<hbm>> -> memref<5000xi32, #tpu.memory_space<hbm>>
      %dma_wait3A_57 = tpu.memref_slice %arg3[%mul3A_2] : memref<160000xi32, #tpu.memory_space<hbm>> -> memref<5000xi32, #tpu.memory_space<hbm>>
      tpu.wait_dma2 semaphore(%run_scoped3A : memref<!tpu.dma_semaphore, #tpu.memory_space<semaphore_mem>>) src(%dma_wait3A_57 : memref<5000xi32, #tpu.memory_space<hbm>>) dst(%arg6 : memref<5000xi32, #tpu.memory_space<vmem>>)
      tpu.yield
    }) : () -> ()
    %mul3A_3 = arith.constant 5000 : i32
    %mul3A_4 = arith.muli %add3A, %mul3A_3 : i32
    "tpu.region"() ({
      %run_scoped3A = tpu.sem_alloc : memref<!tpu.dma_semaphore, #tpu.memory_space<semaphore_mem>>
      %dma_start3A_54 = tpu.memref_slice %arg4[%mul3A_4] : memref<160000xi32, #tpu.memory_space<hbm>> -> memref<5000xi32, #tpu.memory_space<hbm>>
      %dma_start3A_55 = tpu.memref_slice %arg4[%mul3A_4] : memref<160000xi32, #tpu.memory_space<hbm>> -> memref<5000xi32, #tpu.memory_space<hbm>>
      tpu.enqueue_dma source(%dma_start3A_55 : memref<5000xi32, #tpu.memory_space<hbm>>) target(%arg7 : memref<5000xi32, #tpu.memory_space<vmem>>) target_semaphore(%run_scoped3A : memref<!tpu.dma_semaphore, #tpu.memory_space<semaphore_mem>>)
      %dma_wait3A_56 = tpu.memref_slice %arg4[%mul3A_4] : memref<160000xi32, #tpu.memory_space<hbm>> -> memref<5000xi32, #tpu.memory_space<hbm>>
      %dma_wait3A_57 = tpu.memref_slice %arg4[%mul3A_4] : memref<160000xi32, #tpu.memory_space<hbm>> -> memref<5000xi32, #tpu.memory_space<hbm>>
      tpu.wait_dma2 semaphore(%run_scoped3A : memref<!tpu.dma_semaphore, #tpu.memory_space<semaphore_mem>>) src(%dma_wait3A_57 : memref<5000xi32, #tpu.memory_space<hbm>>) dst(%arg7 : memref<5000xi32, #tpu.memory_space<vmem>>)
      tpu.yield
    }) : () -> ()
    %scan3A = arith.constant 0 : i32
    %scan3A_5 = arith.constant 0 : i32
    %scan3A_6 = arith.constant 50 : i32
    %scan3A_7 = arith.addi %scan3A_5, %scan3A_6 : i32
    %scan3A_8 = arith.constant 1 : i32
    scf.for %scan3A_54 = %scan3A_5 to %scan3A_7 step %scan3A_8  : i32 {
      %broadcast_in_dim3A = arith.constant 0.000000e+00 : f32
      %broadcast_in_dim3A_55 = vector.broadcast %broadcast_in_dim3A : f32 to vector<16xf32>
      %mul3A_56 = arith.constant 8 : i32
      %mul3A_57 = arith.muli %scan3A_54, %mul3A_56 : i32
      %add3A_58 = arith.constant 0 : i32
      %add3A_59 = arith.addi %mul3A_57, %add3A_58 : i32
      %swap3A = arith.index_cast %add3A_59 : i32 to index
      %swap3A_60 = arith.constant 0 : index
      %swap3A_61 = tpu.vector_load %arg9[%swap3A, %swap3A_60] {strides = array<i32>} : memref<400x16xf32, #tpu.memory_space<vmem>>, vector<1x16xf32>,
      %swap3A_62 = vector.shape_cast %swap3A_61 : vector<1x16xf32> to vector<16xf32>
      %swap3A_63 = vector.shape_cast %broadcast_in_dim3A_55 : vector<16xf32> to vector<1x16xf32>
      tpu.vector_store %arg9[%swap3A, %swap3A_60], %swap3A_63 {strides = array<i32>} : memref<400x16xf32, #tpu.memory_space<vmem>>, vector<1x16xf32>,
      %broadcast_in_dim3A_64 = arith.constant 0.000000e+00 : f32
      %broadcast_in_dim3A_65 = vector.broadcast %broadcast_in_dim3A_64 : f32 to vector<16xf32>
      %mul3A_66 = arith.constant 8 : i32
      %mul3A_67 = arith.muli %scan3A_54, %mul3A_66 : i32
      %add3A_68 = arith.constant 1 : i32
      %add3A_69 = arith.addi %mul3A_67, %add3A_68 : i32
      %swap3A_70 = arith.index_cast %add3A_69 : i32 to index
      %swap3A_71 = arith.constant 0 : index
      %swap3A_72 = tpu.vector_load %arg9[%swap3A_70, %swap3A_71] {strides = array<i32>} : memref<400x16xf32, #tpu.memory_space<vmem>>, vector<1x16xf32>,
      %swap3A_73 = vector.shape_cast %swap3A_72 : vector<1x16xf32> to vector<16xf32>
      %swap3A_74 = vector.shape_cast %broadcast_in_dim3A_65 : vector<16xf32> to vector<1x16xf32>
      tpu.vector_store %arg9[%swap3A_70, %swap3A_71], %swap3A_74 {strides = array<i32>} : memref<400x16xf32, #tpu.memory_space<vmem>>, vector<1x16xf32>,
      %broadcast_in_dim3A_75 = arith.constant 0.000000e+00 : f32
      %broadcast_in_dim3A_76 = vector.broadcast %broadcast_in_dim3A_75 : f32 to vector<16xf32>
      %mul3A_77 = arith.constant 8 : i32
      %mul3A_78 = arith.muli %scan3A_54, %mul3A_77 : i32
      %add3A_79 = arith.constant 2 : i32
      %add3A_80 = arith.addi %mul3A_78, %add3A_79 : i32
      %swap3A_81 = arith.index_cast %add3A_80 : i32 to index
      %swap3A_82 = arith.constant 0 : index
      %swap3A_83 = tpu.vector_load %arg9[%swap3A_81, %swap3A_82] {strides = array<i32>} : memref<400x16xf32, #tpu.memory_space<vmem>>, vector<1x16xf32>,
      %swap3A_84 = vector.shape_cast %swap3A_83 : vector<1x16xf32> to vector<16xf32>
      %swap3A_85 = vector.shape_cast %broadcast_in_dim3A_76 : vector<16xf32> to vector<1x16xf32>
      tpu.vector_store %arg9[%swap3A_81, %swap3A_82], %swap3A_85 {strides = array<i32>} : memref<400x16xf32, #tpu.memory_space<vmem>>, vector<1x16xf32>,
      %broadcast_in_dim3A_86 = arith.constant 0.000000e+00 : f32
      %broadcast_in_dim3A_87 = vector.broadcast %broadcast_in_dim3A_86 : f32 to vector<16xf32>
      %mul3A_88 = arith.constant 8 : i32
      %mul3A_89 = arith.muli %scan3A_54, %mul3A_88 : i32
      %add3A_90 = arith.constant 3 : i32
      %add3A_91 = arith.addi %mul3A_89, %add3A_90 : i32
      %swap3A_92 = arith.index_cast %add3A_91 : i32 to index
      %swap3A_93 = arith.constant 0 : index
      %swap3A_94 = tpu.vector_load %arg9[%swap3A_92, %swap3A_93] {strides = array<i32>} : memref<400x16xf32, #tpu.memory_space<vmem>>, vector<1x16xf32>,
      %swap3A_95 = vector.shape_cast %swap3A_94 : vector<1x16xf32> to vector<16xf32>
      %swap3A_96 = vector.shape_cast %broadcast_in_dim3A_87 : vector<16xf32> to vector<1x16xf32>
      tpu.vector_store %arg9[%swap3A_92, %swap3A_93], %swap3A_96 {strides = array<i32>} : memref<400x16xf32, #tpu.memory_space<vmem>>, vector<1x16xf32>,
      %broadcast_in_dim3A_97 = arith.constant 0.000000e+00 : f32
      %broadcast_in_dim3A_98 = vector.broadcast %broadcast_in_dim3A_97 : f32 to vector<16xf32>
      %mul3A_99 = arith.constant 8 : i32
      %mul3A_100 = arith.muli %scan3A_54, %mul3A_99 : i32
      %add3A_101 = arith.constant 4 : i32
      %add3A_102 = arith.addi %mul3A_100, %add3A_101 : i32
      %swap3A_103 = arith.index_cast %add3A_102 : i32 to index
      %swap3A_104 = arith.constant 0 : index
      %swap3A_105 = tpu.vector_load %arg9[%swap3A_103, %swap3A_104] {strides = array<i32>} : memref<400x16xf32, #tpu.memory_space<vmem>>, vector<1x16xf32>,
      %swap3A_106 = vector.shape_cast %swap3A_105 : vector<1x16xf32> to vector<16xf32>
      %swap3A_107 = vector.shape_cast %broadcast_in_dim3A_98 : vector<16xf32> to vector<1x16xf32>
      tpu.vector_store %arg9[%swap3A_103, %swap3A_104], %swap3A_107 {strides = array<i32>} : memref<400x16xf32, #tpu.memory_space<vmem>>, vector<1x16xf32>,
      %broadcast_in_dim3A_108 = arith.constant 0.000000e+00 : f32
      %broadcast_in_dim3A_109 = vector.broadcast %broadcast_in_dim3A_108 : f32 to vector<16xf32>
      %mul3A_110 = arith.constant 8 : i32
      %mul3A_111 = arith.muli %scan3A_54, %mul3A_110 : i32
      %add3A_112 = arith.constant 5 : i32
      %add3A_113 = arith.addi %mul3A_111, %add3A_112 : i32
      %swap3A_114 = arith.index_cast %add3A_113 : i32 to index
      %swap3A_115 = arith.constant 0 : index
      %swap3A_116 = tpu.vector_load %arg9[%swap3A_114, %swap3A_115] {strides = array<i32>} : memref<400x16xf32, #tpu.memory_space<vmem>>, vector<1x16xf32>,
      %swap3A_117 = vector.shape_cast %swap3A_116 : vector<1x16xf32> to vector<16xf32>
      %swap3A_118 = vector.shape_cast %broadcast_in_dim3A_109 : vector<16xf32> to vector<1x16xf32>
      tpu.vector_store %arg9[%swap3A_114, %swap3A_115], %swap3A_118 {strides = array<i32>} : memref<400x16xf32, #tpu.memory_space<vmem>>, vector<1x16xf32>,
      %broadcast_in_dim3A_119 = arith.constant 0.000000e+00 : f32
      %broadcast_in_dim3A_120 = vector.broadcast %broadcast_in_dim3A_119 : f32 to vector<16xf32>
      %mul3A_121 = arith.constant 8 : i32
      %mul3A_122 = arith.muli %scan3A_54, %mul3A_121 : i32
      %add3A_123 = arith.constant 6 : i32
      %add3A_124 = arith.addi %mul3A_122, %add3A_123 : i32
      %swap3A_125 = arith.index_cast %add3A_124 : i32 to index
      %swap3A_126 = arith.constant 0 : index
      %swap3A_127 = tpu.vector_load %arg9[%swap3A_125, %swap3A_126] {strides = array<i32>} : memref<400x16xf32, #tpu.memory_space<vmem>>, vector<1x16xf32>,
      %swap3A_128 = vector.shape_cast %swap3A_127 : vector<1x16xf32> to vector<16xf32>
      %swap3A_129 = vector.shape_cast %broadcast_in_dim3A_120 : vector<16xf32> to vector<1x16xf32>
      tpu.vector_store %arg9[%swap3A_125, %swap3A_126], %swap3A_129 {strides = array<i32>} : memref<400x16xf32, #tpu.memory_space<vmem>>, vector<1x16xf32>,
      %broadcast_in_dim3A_130 = arith.constant 0.000000e+00 : f32
      %broadcast_in_dim3A_131 = vector.broadcast %broadcast_in_dim3A_130 : f32 to vector<16xf32>
      %mul3A_132 = arith.constant 8 : i32
      %mul3A_133 = arith.muli %scan3A_54, %mul3A_132 : i32
      %add3A_134 = arith.constant 7 : i32
      %add3A_135 = arith.addi %mul3A_133, %add3A_134 : i32
      %swap3A_136 = arith.index_cast %add3A_135 : i32 to index
      %swap3A_137 = arith.constant 0 : index
      %swap3A_138 = tpu.vector_load %arg9[%swap3A_136, %swap3A_137] {strides = array<i32>} : memref<400x16xf32, #tpu.memory_space<vmem>>, vector<1x16xf32>,
      %swap3A_139 = vector.shape_cast %swap3A_138 : vector<1x16xf32> to vector<16xf32>
      %swap3A_140 = vector.shape_cast %broadcast_in_dim3A_131 : vector<16xf32> to vector<1x16xf32>
      tpu.vector_store %arg9[%swap3A_136, %swap3A_137], %swap3A_140 {strides = array<i32>} : memref<400x16xf32, #tpu.memory_space<vmem>>, vector<1x16xf32>,
    }
    %scan3A_9 = arith.constant 50 : i32
    %mul3A_10 = arith.constant 400 : i32
    %mul3A_11 = arith.muli %arg1, %mul3A_10 : i32
    "tpu.region"() ({
      %run_scoped3A = tpu.sem_alloc : memref<!tpu.dma_semaphore, #tpu.memory_space<semaphore_mem>>
      %dma_start3A_54 = arith.constant 0 : i32
      %dma_start3A_55 = tpu.memref_slice %arg10[%mul3A_11, %dma_start3A_54] : memref<10000x16xf32, #tpu.memory_space<vmem_shared>> -> memref<400x16xf32, #tpu.memory_space<vmem_shared>>
      %dma_start3A_56 = arith.constant 0 : i32
      %dma_start3A_57 = tpu.memref_slice %arg10[%mul3A_11, %dma_start3A_56] : memref<10000x16xf32, #tpu.memory_space<vmem_shared>> -> memref<400x16xf32, #tpu.memory_space<vmem_shared>>
      tpu.enqueue_dma source(%arg9 : memref<400x16xf32, #tpu.memory_space<vmem>>) target(%dma_start3A_57 : memref<400x16xf32, #tpu.memory_space<vmem_shared>>) target_semaphore(%run_scoped3A : memref<!tpu.dma_semaphore, #tpu.memory_space<semaphore_mem>>)
      %dma_wait3A_58 = arith.constant 0 : i32
      %dma_wait3A_59 = tpu.memref_slice %arg10[%mul3A_11, %dma_wait3A_58] : memref<10000x16xf32, #tpu.memory_space<vmem_shared>> -> memref<400x16xf32, #tpu.memory_space<vmem_shared>>
      %dma_wait3A_60 = arith.constant 0 : i32
      %dma_wait3A_61 = tpu.memref_slice %arg10[%mul3A_11, %dma_wait3A_60] : memref<10000x16xf32, #tpu.memory_space<vmem_shared>> -> memref<400x16xf32, #tpu.memory_space<vmem_shared>>
      tpu.wait_dma2 semaphore(%run_scoped3A : memref<!tpu.dma_semaphore, #tpu.memory_space<semaphore_mem>>) src(%arg9 : memref<400x16xf32, #tpu.memory_space<vmem>>) dst(%dma_wait3A_61 : memref<400x16xf32, #tpu.memory_space<vmem_shared>>)
      tpu.yield
    }) : () -> ()
    %lt3A = arith.constant 9 : i32
    %lt3A_12 = arith.cmpi slt, %arg1, %lt3A : i32
    %convert_element_type3A = arith.extui %lt3A_12 : i1 to i32
    %cond3A = arith.constant 0 : i32
    %cond3A_13 = arith.cmpi ne, %convert_element_type3A, %cond3A : i32
    scf.if %cond3A_13 {
      %add3A_54 = arith.constant 16 : i32
      %add3A_55 = arith.addi %arg1, %add3A_54 : i32
      %mul3A_56 = arith.constant 400 : i32
      %mul3A_57 = arith.muli %add3A_55, %mul3A_56 : i32
      "tpu.region"() ({
        %run_scoped3A = tpu.sem_alloc : memref<!tpu.dma_semaphore, #tpu.memory_space<semaphore_mem>>
        %dma_start3A_58 = arith.constant 0 : i32
        %dma_start3A_59 = tpu.memref_slice %arg10[%mul3A_57, %dma_start3A_58] : memref<10000x16xf32, #tpu.memory_space<vmem_shared>> -> memref<400x16xf32, #tpu.memory_space<vmem_shared>>
        %dma_start3A_60 = arith.constant 0 : i32
        %dma_start3A_61 = tpu.memref_slice %arg10[%mul3A_57, %dma_start3A_60] : memref<10000x16xf32, #tpu.memory_space<vmem_shared>> -> memref<400x16xf32, #tpu.memory_space<vmem_shared>>
        tpu.enqueue_dma source(%arg9 : memref<400x16xf32, #tpu.memory_space<vmem>>) target(%dma_start3A_61 : memref<400x16xf32, #tpu.memory_space<vmem_shared>>) target_semaphore(%run_scoped3A : memref<!tpu.dma_semaphore, #tpu.memory_space<semaphore_mem>>)
        %dma_wait3A_62 = arith.constant 0 : i32
        %dma_wait3A_63 = tpu.memref_slice %arg10[%mul3A_57, %dma_wait3A_62] : memref<10000x16xf32, #tpu.memory_space<vmem_shared>> -> memref<400x16xf32, #tpu.memory_space<vmem_shared>>
        %dma_wait3A_64 = arith.constant 0 : i32
        %dma_wait3A_65 = tpu.memref_slice %arg10[%mul3A_57, %dma_wait3A_64] : memref<10000x16xf32, #tpu.memory_space<vmem_shared>> -> memref<400x16xf32, #tpu.memory_space<vmem_shared>>
        tpu.wait_dma2 semaphore(%run_scoped3A : memref<!tpu.dma_semaphore, #tpu.memory_space<semaphore_mem>>) src(%arg9 : memref<400x16xf32, #tpu.memory_space<vmem>>) dst(%dma_wait3A_65 : memref<400x16xf32, #tpu.memory_space<vmem_shared>>)
        tpu.yield
      }) : () -> ()
    } else {
    }
    %barrier3A = arith.constant 0 : index
    tpu.barrier barrier_id(%barrier3A)
    %dma_start3A = arith.constant 0 : i32
    %dma_start3A_14 = arith.constant 0 : i32
    %dma_start3A_15 = tpu.memref_slice %arg8[%dma_start3A, %dma_start3A_14] : memref<5000x16xf32, #tpu.memory_space<vmem>> -> memref<2560x16xf32, #tpu.memory_space<vmem>>
    %dma_start3A_16 = arith.constant 0 : i32
    %dma_start3A_17 = tpu.memref_slice %arg6[%dma_start3A_16] : memref<5000xi32, #tpu.memory_space<vmem>> -> memref<2560xi32, #tpu.memory_space<vmem>>
    %dma_start3A_18 = arith.constant 0 : i32
    %dma_start3A_19 = arith.constant 0 : i32
    %dma_start3A_20 = tpu.memref_slice %arg2[%dma_start3A_18, %dma_start3A_19] : memref<10000x16xf32, #tpu.memory_space<hbm>> -> memref<10000x16xf32, #tpu.memory_space<hbm>>
    tpu.enqueue_indirect_dma source(%dma_start3A_20 : memref<10000x16xf32, #tpu.memory_space<hbm>>) target(%dma_start3A_15 : memref<2560x16xf32, #tpu.memory_space<vmem>>) offsets(%dma_start3A_17 : memref<2560xi32, #tpu.memory_space<vmem>>) semaphore(%arg11 : memref<!tpu.dma_semaphore, #tpu.memory_space<semaphore_mem>>)
    %dma_start3A_21 = arith.constant 2560 : i32
    %dma_start3A_22 = arith.constant 0 : i32
    %dma_start3A_23 = tpu.memref_slice %arg8[%dma_start3A_21, %dma_start3A_22] : memref<5000x16xf32, #tpu.memory_space<vmem>> -> memref<2440x16xf32, #tpu.memory_space<vmem>>
    %dma_start3A_24 = arith.constant 2560 : i32
    %dma_start3A_25 = tpu.memref_slice %arg6[%dma_start3A_24] : memref<5000xi32, #tpu.memory_space<vmem>> -> memref<2440xi32, #tpu.memory_space<vmem>>
    %dma_start3A_26 = arith.constant 0 : i32
    %dma_start3A_27 = arith.constant 0 : i32
    %dma_start3A_28 = tpu.memref_slice %arg2[%dma_start3A_26, %dma_start3A_27] : memref<10000x16xf32, #tpu.memory_space<hbm>> -> memref<10000x16xf32, #tpu.memory_space<hbm>>
    tpu.enqueue_indirect_dma source(%dma_start3A_28 : memref<10000x16xf32, #tpu.memory_space<hbm>>) target(%dma_start3A_23 : memref<2440x16xf32, #tpu.memory_space<vmem>>) offsets(%dma_start3A_25 : memref<2440xi32, #tpu.memory_space<vmem>>) semaphore(%arg12 : memref<!tpu.dma_semaphore, #tpu.memory_space<semaphore_mem>>)
    %dma_wait3A = arith.constant 0 : i32
    %dma_wait3A_29 = arith.constant 0 : i32
    %dma_wait3A_30 = tpu.memref_slice %arg8[%dma_wait3A, %dma_wait3A_29] : memref<5000x16xf32, #tpu.memory_space<vmem>> -> memref<2560x16xf32, #tpu.memory_space<vmem>>
    %dma_wait3A_31 = arith.constant 0 : i32
    %dma_wait3A_32 = tpu.memref_slice %arg6[%dma_wait3A_31] : memref<5000xi32, #tpu.memory_space<vmem>> -> memref<2560xi32, #tpu.memory_space<vmem>>
    %dma_wait3A_33 = arith.constant 0 : i32
    %dma_wait3A_34 = arith.constant 0 : i32
    %dma_wait3A_35 = tpu.memref_slice %arg2[%dma_wait3A_33, %dma_wait3A_34] : memref<10000x16xf32, #tpu.memory_space<hbm>> -> memref<10000x16xf32, #tpu.memory_space<hbm>>
    tpu.wait_indirect_dma semaphore(%arg11 : memref<!tpu.dma_semaphore, #tpu.memory_space<semaphore_mem>>) src(%dma_wait3A_35 : memref<10000x16xf32, #tpu.memory_space<hbm>>) dst(%dma_wait3A_30 : memref<2560x16xf32, #tpu.memory_space<vmem>>)
    "tpu.region"() ({
      %run_scoped3A = tpu.sem_alloc : memref<!tpu.dma_semaphore, #tpu.memory_space<semaphore_mem>>
      %dma_start3A_54 = arith.constant 0 : i32
      %dma_start3A_55 = arith.constant 0 : i32
      %dma_start3A_56 = tpu.memref_slice %arg8[%dma_start3A_54, %dma_start3A_55] : memref<5000x16xf32, #tpu.memory_space<vmem>> -> memref<2560x16xf32, #tpu.memory_space<vmem>>
      %dma_start3A_57 = arith.constant 0 : i32
      %dma_start3A_58 = tpu.memref_slice %arg7[%dma_start3A_57] : memref<5000xi32, #tpu.memory_space<vmem>> -> memref<2560xi32, #tpu.memory_space<vmem>>
      %dma_start3A_59 = arith.constant 0 : i32
      %dma_start3A_60 = arith.constant 0 : i32
      %dma_start3A_61 = tpu.memref_slice %arg10[%dma_start3A_59, %dma_start3A_60] : memref<10000x16xf32, #tpu.memory_space<vmem_shared>> -> memref<10000x16xf32, #tpu.memory_space<vmem_shared>>
      tpu.enqueue_indirect_dma source(%dma_start3A_56 : memref<2560x16xf32, #tpu.memory_space<vmem>>) target(%dma_start3A_61 : memref<10000x16xf32, #tpu.memory_space<vmem_shared>>) offsets(%dma_start3A_58 : memref<2560xi32, #tpu.memory_space<vmem>>) semaphore(%run_scoped3A : memref<!tpu.dma_semaphore, #tpu.memory_space<semaphore_mem>>) {add = true}
      %dma_wait3A_62 = arith.constant 0 : i32
      %dma_wait3A_63 = arith.constant 0 : i32
      %dma_wait3A_64 = tpu.memref_slice %arg8[%dma_wait3A_62, %dma_wait3A_63] : memref<5000x16xf32, #tpu.memory_space<vmem>> -> memref<2560x16xf32, #tpu.memory_space<vmem>>
      %dma_wait3A_65 = arith.constant 0 : i32
      %dma_wait3A_66 = tpu.memref_slice %arg7[%dma_wait3A_65] : memref<5000xi32, #tpu.memory_space<vmem>> -> memref<2560xi32, #tpu.memory_space<vmem>>
      %dma_wait3A_67 = arith.constant 0 : i32
      %dma_wait3A_68 = arith.constant 0 : i32
      %dma_wait3A_69 = tpu.memref_slice %arg10[%dma_wait3A_67, %dma_wait3A_68] : memref<10000x16xf32, #tpu.memory_space<vmem_shared>> -> memref<10000x16xf32, #tpu.memory_space<vmem_shared>>
      tpu.wait_indirect_dma semaphore(%run_scoped3A : memref<!tpu.dma_semaphore, #tpu.memory_space<semaphore_mem>>) src(%dma_wait3A_64 : memref<2560x16xf32, #tpu.memory_space<vmem>>) dst(%dma_wait3A_69 : memref<10000x16xf32, #tpu.memory_space<vmem_shared>>)
      tpu.yield
    }) : () -> ()
    %dma_wait3A_36 = arith.constant 2560 : i32
    %dma_wait3A_37 = arith.constant 0 : i32
    %dma_wait3A_38 = tpu.memref_slice %arg8[%dma_wait3A_36, %dma_wait3A_37] : memref<5000x16xf32, #tpu.memory_space<vmem>> -> memref<2440x16xf32, #tpu.memory_space<vmem>>
    %dma_wait3A_39 = arith.constant 2560 : i32
    %dma_wait3A_40 = tpu.memref_slice %arg6[%dma_wait3A_39] : memref<5000xi32, #tpu.memory_space<vmem>> -> memref<2440xi32, #tpu.memory_space<vmem>>
    %dma_wait3A_41 = arith.constant 0 : i32
    %dma_wait3A_42 = arith.constant 0 : i32
    %dma_wait3A_43 = tpu.memref_slice %arg2[%dma_wait3A_41, %dma_wait3A_42] : memref<10000x16xf32, #tpu.memory_space<hbm>> -> memref<10000x16xf32, #tpu.memory_space<hbm>>
    tpu.wait_indirect_dma semaphore(%arg12 : memref<!tpu.dma_semaphore, #tpu.memory_space<semaphore_mem>>) src(%dma_wait3A_43 : memref<10000x16xf32, #tpu.memory_space<hbm>>) dst(%dma_wait3A_38 : memref<2440x16xf32, #tpu.memory_space<vmem>>)
    "tpu.region"() ({
      %run_scoped3A = tpu.sem_alloc : memref<!tpu.dma_semaphore, #tpu.memory_space<semaphore_mem>>
      %dma_start3A_54 = arith.constant 2560 : i32
      %dma_start3A_55 = arith.constant 0 : i32
      %dma_start3A_56 = tpu.memref_slice %arg8[%dma_start3A_54, %dma_start3A_55] : memref<5000x16xf32, #tpu.memory_space<vmem>> -> memref<2440x16xf32, #tpu.memory_space<vmem>>
      %dma_start3A_57 = arith.constant 2560 : i32
      %dma_start3A_58 = tpu.memref_slice %arg7[%dma_start3A_57] : memref<5000xi32, #tpu.memory_space<vmem>> -> memref<2440xi32, #tpu.memory_space<vmem>>
      %dma_start3A_59 = arith.constant 0 : i32
      %dma_start3A_60 = arith.constant 0 : i32
      %dma_start3A_61 = tpu.memref_slice %arg10[%dma_start3A_59, %dma_start3A_60] : memref<10000x16xf32, #tpu.memory_space<vmem_shared>> -> memref<10000x16xf32, #tpu.memory_space<vmem_shared>>
      tpu.enqueue_indirect_dma source(%dma_start3A_56 : memref<2440x16xf32, #tpu.memory_space<vmem>>) target(%dma_start3A_61 : memref<10000x16xf32, #tpu.memory_space<vmem_shared>>) offsets(%dma_start3A_58 : memref<2440xi32, #tpu.memory_space<vmem>>) semaphore(%run_scoped3A : memref<!tpu.dma_semaphore, #tpu.memory_space<semaphore_mem>>) {add = true}
      %dma_wait3A_62 = arith.constant 2560 : i32
      %dma_wait3A_63 = arith.constant 0 : i32
      %dma_wait3A_64 = tpu.memref_slice %arg8[%dma_wait3A_62, %dma_wait3A_63] : memref<5000x16xf32, #tpu.memory_space<vmem>> -> memref<2440x16xf32, #tpu.memory_space<vmem>>
      %dma_wait3A_65 = arith.constant 2560 : i32
      %dma_wait3A_66 = tpu.memref_slice %arg7[%dma_wait3A_65] : memref<5000xi32, #tpu.memory_space<vmem>> -> memref<2440xi32, #tpu.memory_space<vmem>>
      %dma_wait3A_67 = arith.constant 0 : i32
      %dma_wait3A_68 = arith.constant 0 : i32
      %dma_wait3A_69 = tpu.memref_slice %arg10[%dma_wait3A_67, %dma_wait3A_68] : memref<10000x16xf32, #tpu.memory_space<vmem_shared>> -> memref<10000x16xf32, #tpu.memory_space<vmem_shared>>
      tpu.wait_indirect_dma semaphore(%run_scoped3A : memref<!tpu.dma_semaphore, #tpu.memory_space<semaphore_mem>>) src(%dma_wait3A_64 : memref<2440x16xf32, #tpu.memory_space<vmem>>) dst(%dma_wait3A_69 : memref<10000x16xf32, #tpu.memory_space<vmem_shared>>)
      tpu.yield
    }) : () -> ()
    %barrier3A_44 = arith.constant 0 : index
    tpu.barrier barrier_id(%barrier3A_44)
    %mul3A_45 = arith.constant 400 : i32
    %mul3A_46 = arith.muli %arg1, %mul3A_45 : i32
    %mul3A_47 = arith.constant 400 : i32
    %mul3A_48 = arith.muli %arg1, %mul3A_47 : i32
    "tpu.region"() ({
      %run_scoped3A = tpu.sem_alloc : memref<!tpu.dma_semaphore, #tpu.memory_space<semaphore_mem>>
      %dma_start3A_54 = arith.constant 0 : i32
      %dma_start3A_55 = tpu.memref_slice %arg5[%arg0, %mul3A_48, %dma_start3A_54] : memref<2x10000x16xf32, #tpu.memory_space<hbm>> -> memref<1x400x16xf32, #tpu.memory_space<hbm>>
      %dma_start3A_56 = tpu.memref_squeeze %dma_start3A_55 : memref<1x400x16xf32, #tpu.memory_space<hbm>> -> memref<400x16xf32, #tpu.memory_space<hbm>>
      %dma_start3A_57 = arith.constant 0 : i32
      %dma_start3A_58 = tpu.memref_slice %arg10[%mul3A_46, %dma_start3A_57] : memref<10000x16xf32, #tpu.memory_space<vmem_shared>> -> memref<400x16xf32, #tpu.memory_space<vmem_shared>>
      tpu.enqueue_dma source(%dma_start3A_58 : memref<400x16xf32, #tpu.memory_space<vmem_shared>>) target(%dma_start3A_56 : memref<400x16xf32, #tpu.memory_space<hbm>>) target_semaphore(%run_scoped3A : memref<!tpu.dma_semaphore, #tpu.memory_space<semaphore_mem>>)
      %dma_wait3A_59 = arith.constant 0 : i32
      %dma_wait3A_60 = tpu.memref_slice %arg5[%arg0, %mul3A_48, %dma_wait3A_59] : memref<2x10000x16xf32, #tpu.memory_space<hbm>> -> memref<1x400x16xf32, #tpu.memory_space<hbm>>
      %dma_wait3A_61 = tpu.memref_squeeze %dma_wait3A_60 : memref<1x400x16xf32, #tpu.memory_space<hbm>> -> memref<400x16xf32, #tpu.memory_space<hbm>>
      %dma_wait3A_62 = arith.constant 0 : i32
      %dma_wait3A_63 = tpu.memref_slice %arg10[%mul3A_46, %dma_wait3A_62] : memref<10000x16xf32, #tpu.memory_space<vmem_shared>> -> memref<400x16xf32, #tpu.memory_space<vmem_shared>>
      tpu.wait_dma2 semaphore(%run_scoped3A : memref<!tpu.dma_semaphore, #tpu.memory_space<semaphore_mem>>) src(%dma_wait3A_63 : memref<400x16xf32, #tpu.memory_space<vmem_shared>>) dst(%dma_wait3A_61 : memref<400x16xf32, #tpu.memory_space<hbm>>)
      tpu.yield
    }) : () -> ()
    %lt3A_49 = arith.constant 9 : i32
    %lt3A_50 = arith.cmpi slt, %arg1, %lt3A_49 : i32
    %convert_element_type3A_51 = arith.extui %lt3A_50 : i1 to i32
    %cond3A_52 = arith.constant 0 : i32
    %cond3A_53 = arith.cmpi ne, %convert_element_type3A_51, %cond3A_52 : i32
    scf.if %cond3A_53 {
      %add3A_54 = arith.constant 16 : i32
      %add3A_55 = arith.addi %arg1, %add3A_54 : i32
      %mul3A_56 = arith.constant 400 : i32
      %mul3A_57 = arith.muli %add3A_55, %mul3A_56 : i32
      %add3A_58 = arith.constant 16 : i32
      %add3A_59 = arith.addi %arg1, %add3A_58 : i32
      %mul3A_60 = arith.constant 400 : i32
      %mul3A_61 = arith.muli %add3A_59, %mul3A_60 : i32
      "tpu.region"() ({
        %run_scoped3A = tpu.sem_alloc : memref<!tpu.dma_semaphore, #tpu.memory_space<semaphore_mem>>
        %dma_start3A_62 = arith.constant 0 : i32
        %dma_start3A_63 = tpu.memref_slice %arg5[%arg0, %mul3A_61, %dma_start3A_62] : memref<2x10000x16xf32, #tpu.memory_space<hbm>> -> memref<1x400x16xf32, #tpu.memory_space<hbm>>
        %dma_start3A_64 = tpu.memref_squeeze %dma_start3A_63 : memref<1x400x16xf32, #tpu.memory_space<hbm>> -> memref<400x16xf32, #tpu.memory_space<hbm>>
        %dma_start3A_65 = arith.constant 0 : i32
        %dma_start3A_66 = tpu.memref_slice %arg10[%mul3A_57, %dma_start3A_65] : memref<10000x16xf32, #tpu.memory_space<vmem_shared>> -> memref<400x16xf32, #tpu.memory_space<vmem_shared>>
        tpu.enqueue_dma source(%dma_start3A_66 : memref<400x16xf32, #tpu.memory_space<vmem_shared>>) target(%dma_start3A_64 : memref<400x16xf32, #tpu.memory_space<hbm>>) target_semaphore(%run_scoped3A : memref<!tpu.dma_semaphore, #tpu.memory_space<semaphore_mem>>)
        %dma_wait3A_67 = arith.constant 0 : i32
        %dma_wait3A_68 = tpu.memref_slice %arg5[%arg0, %mul3A_61, %dma_wait3A_67] : memref<2x10000x16xf32, #tpu.memory_space<hbm>> -> memref<1x400x16xf32, #tpu.memory_space<hbm>>
        %dma_wait3A_69 = tpu.memref_squeeze %dma_wait3A_68 : memref<1x400x16xf32, #tpu.memory_space<hbm>> -> memref<400x16xf32, #tpu.memory_space<hbm>>
        %dma_wait3A_70 = arith.constant 0 : i32
        %dma_wait3A_71 = tpu.memref_slice %arg10[%mul3A_57, %dma_wait3A_70] : memref<10000x16xf32, #tpu.memory_space<vmem_shared>> -> memref<400x16xf32, #tpu.memory_space<vmem_shared>>
        tpu.wait_dma2 semaphore(%run_scoped3A : memref<!tpu.dma_semaphore, #tpu.memory_space<semaphore_mem>>) src(%dma_wait3A_71 : memref<400x16xf32, #tpu.memory_space<vmem_shared>>) dst(%dma_wait3A_69 : memref<400x16xf32, #tpu.memory_space<hbm>>)
        tpu.yield
      }) : () -> ()
    } else {
    }
    return
  }
}

#map = affine_map<(d0, d1) -> (0, 0)>
#map1 = affine_map<(d0, d1) -> (0)>
#map2 = affine_map<(d0, d1) -> (0, 0, 0)>
module attributes {stable_mosaic.version = 14 : i64} {
  func.func @_agg_kernel(%arg0: i32, %arg1: i32, %arg2: memref<10000x16xf32, #tpu.memory_space<hbm>>, %arg3: memref<160000xi32, #tpu.memory_space<hbm>>, %arg4: memref<160000xi32, #tpu.memory_space<hbm>>, %arg5: memref<2x10000x16xf32, #tpu.memory_space<hbm>>, %arg6: memref<5000xi32, #tpu.memory_space<vmem>>, %arg7: memref<5000xi32, #tpu.memory_space<vmem>>, %arg8: memref<5000x16xf32, #tpu.memory_space<vmem>>, %arg9: memref<400x16xf32, #tpu.memory_space<vmem>>, %arg10: memref<10000x16xf32, #tpu.memory_space<vmem_shared>>, %arg11: memref<!tpu.dma_semaphore, #tpu.memory_space<semaphore_mem>>, %arg12: memref<!tpu.dma_semaphore, #tpu.memory_space<semaphore_mem>>) attributes {dimension_semantics = [#tpu.dimension_semantics<core_parallel>, #tpu.dimension_semantics<subcore_parallel>], iteration_bounds = array<i64: 2, 16>, scalar_prefetch = 0 : i64, scratch_operands = 7 : i64, tpu.core_type = #tpu.core_type<sc_vector_subcore>, window_params = [{transform_indices = #map}, {transform_indices = #map1}, {transform_indices = #map1}, {transform_indices = #map2}]} {
    %mul3A = arith.constant 16 : i32
    %mul3A_0 = arith.muli %arg0, %mul3A : i32
    %add3A = arith.addi %mul3A_0, %arg1 : i32
    %mul3A_1 = arith.constant 5000 : i32
    %mul3A_2 = arith.muli %add3A, %mul3A_1 : i32
    "tpu.region"() ({
      %run_scoped3A = tpu.sem_alloc : memref<!tpu.dma_semaphore, #tpu.memory_space<semaphore_mem>>
      %dma_start3A_54 = tpu.memref_slice %arg3[%mul3A_2] : memref<160000xi32, #tpu.memory_space<hbm>> -> memref<5000xi32, #tpu.memory_space<hbm>>
      %dma_start3A_55 = tpu.memref_slice %arg3[%mul3A_2] : memref<160000xi32, #tpu.memory_space<hbm>> -> memref<5000xi32, #tpu.memory_space<hbm>>
      tpu.enqueue_dma source(%dma_start3A_55 : memref<5000xi32, #tpu.memory_space<hbm>>) target(%arg6 : memref<5000xi32, #tpu.memory_space<vmem>>) target_semaphore(%run_scoped3A : memref<!tpu.dma_semaphore, #tpu.memory_space<semaphore_mem>>)
      %dma_wait3A_56 = tpu.memref_slice %arg3[%mul3A_2] : memref<160000xi32, #tpu.memory_space<hbm>> -> memref<5000xi32, #tpu.memory_space<hbm>>
      %dma_wait3A_57 = tpu.memref_slice %arg3[%mul3A_2] : memref<160000xi32, #tpu.memory_space<hbm>> -> memref<5000xi32, #tpu.memory_space<hbm>>
      tpu.wait_dma2 semaphore(%run_scoped3A : memref<!tpu.dma_semaphore, #tpu.memory_space<semaphore_mem>>) src(%dma_wait3A_57 : memref<5000xi32, #tpu.memory_space<hbm>>) dst(%arg6 : memref<5000xi32, #tpu.memory_space<vmem>>)
      tpu.yield
    }) : () -> ()
    %mul3A_3 = arith.constant 5000 : i32
    %mul3A_4 = arith.muli %add3A, %mul3A_3 : i32
    "tpu.region"() ({
      %run_scoped3A = tpu.sem_alloc : memref<!tpu.dma_semaphore, #tpu.memory_space<semaphore_mem>>
      %dma_start3A_54 = tpu.memref_slice %arg4[%mul3A_4] : memref<160000xi32, #tpu.memory_space<hbm>> -> memref<5000xi32, #tpu.memory_space<hbm>>
      %dma_start3A_55 = tpu.memref_slice %arg4[%mul3A_4] : memref<160000xi32, #tpu.memory_space<hbm>> -> memref<5000xi32, #tpu.memory_space<hbm>>
      tpu.enqueue_dma source(%dma_start3A_55 : memref<5000xi32, #tpu.memory_space<hbm>>) target(%arg7 : memref<5000xi32, #tpu.memory_space<vmem>>) target_semaphore(%run_scoped3A : memref<!tpu.dma_semaphore, #tpu.memory_space<semaphore_mem>>)
      %dma_wait3A_56 = tpu.memref_slice %arg4[%mul3A_4] : memref<160000xi32, #tpu.memory_space<hbm>> -> memref<5000xi32, #tpu.memory_space<hbm>>
      %dma_wait3A_57 = tpu.memref_slice %arg4[%mul3A_4] : memref<160000xi32, #tpu.memory_space<hbm>> -> memref<5000xi32, #tpu.memory_space<hbm>>
      tpu.wait_dma2 semaphore(%run_scoped3A : memref<!tpu.dma_semaphore, #tpu.memory_space<semaphore_mem>>) src(%dma_wait3A_57 : memref<5000xi32, #tpu.memory_space<hbm>>) dst(%arg7 : memref<5000xi32, #tpu.memory_space<vmem>>)
      tpu.yield
    }) : () -> ()
    %scan3A = arith.constant 0 : i32
    %scan3A_5 = arith.constant 0 : i32
    %scan3A_6 = arith.constant 50 : i32
    %scan3A_7 = arith.addi %scan3A_5, %scan3A_6 : i32
    %scan3A_8 = arith.constant 1 : i32
    scf.for %scan3A_54 = %scan3A_5 to %scan3A_7 step %scan3A_8  : i32 {
      %broadcast_in_dim3A = arith.constant 0.000000e+00 : f32
      %broadcast_in_dim3A_55 = vector.broadcast %broadcast_in_dim3A : f32 to vector<16xf32>
      %mul3A_56 = arith.constant 8 : i32
      %mul3A_57 = arith.muli %scan3A_54, %mul3A_56 : i32
      %add3A_58 = arith.constant 0 : i32
      %add3A_59 = arith.addi %mul3A_57, %add3A_58 : i32
      %swap3A = arith.index_cast %add3A_59 : i32 to index
      %swap3A_60 = arith.constant 0 : index
      %swap3A_61 = tpu.vector_load %arg9[%swap3A, %swap3A_60] {strides = array<i32>} : memref<400x16xf32, #tpu.memory_space<vmem>>, vector<1x16xf32>,
      %swap3A_62 = vector.shape_cast %swap3A_61 : vector<1x16xf32> to vector<16xf32>
      %swap3A_63 = vector.shape_cast %broadcast_in_dim3A_55 : vector<16xf32> to vector<1x16xf32>
      tpu.vector_store %arg9[%swap3A, %swap3A_60], %swap3A_63 {strides = array<i32>} : memref<400x16xf32, #tpu.memory_space<vmem>>, vector<1x16xf32>,
      %broadcast_in_dim3A_64 = arith.constant 0.000000e+00 : f32
      %broadcast_in_dim3A_65 = vector.broadcast %broadcast_in_dim3A_64 : f32 to vector<16xf32>
      %mul3A_66 = arith.constant 8 : i32
      %mul3A_67 = arith.muli %scan3A_54, %mul3A_66 : i32
      %add3A_68 = arith.constant 1 : i32
      %add3A_69 = arith.addi %mul3A_67, %add3A_68 : i32
      %swap3A_70 = arith.index_cast %add3A_69 : i32 to index
      %swap3A_71 = arith.constant 0 : index
      %swap3A_72 = tpu.vector_load %arg9[%swap3A_70, %swap3A_71] {strides = array<i32>} : memref<400x16xf32, #tpu.memory_space<vmem>>, vector<1x16xf32>,
      %swap3A_73 = vector.shape_cast %swap3A_72 : vector<1x16xf32> to vector<16xf32>
      %swap3A_74 = vector.shape_cast %broadcast_in_dim3A_65 : vector<16xf32> to vector<1x16xf32>
      tpu.vector_store %arg9[%swap3A_70, %swap3A_71], %swap3A_74 {strides = array<i32>} : memref<400x16xf32, #tpu.memory_space<vmem>>, vector<1x16xf32>,
      %broadcast_in_dim3A_75 = arith.constant 0.000000e+00 : f32
      %broadcast_in_dim3A_76 = vector.broadcast %broadcast_in_dim3A_75 : f32 to vector<16xf32>
      %mul3A_77 = arith.constant 8 : i32
      %mul3A_78 = arith.muli %scan3A_54, %mul3A_77 : i32
      %add3A_79 = arith.constant 2 : i32
      %add3A_80 = arith.addi %mul3A_78, %add3A_79 : i32
      %swap3A_81 = arith.index_cast %add3A_80 : i32 to index
      %swap3A_82 = arith.constant 0 : index
      %swap3A_83 = tpu.vector_load %arg9[%swap3A_81, %swap3A_82] {strides = array<i32>} : memref<400x16xf32, #tpu.memory_space<vmem>>, vector<1x16xf32>,
      %swap3A_84 = vector.shape_cast %swap3A_83 : vector<1x16xf32> to vector<16xf32>
      %swap3A_85 = vector.shape_cast %broadcast_in_dim3A_76 : vector<16xf32> to vector<1x16xf32>
      tpu.vector_store %arg9[%swap3A_81, %swap3A_82], %swap3A_85 {strides = array<i32>} : memref<400x16xf32, #tpu.memory_space<vmem>>, vector<1x16xf32>,
      %broadcast_in_dim3A_86 = arith.constant 0.000000e+00 : f32
      %broadcast_in_dim3A_87 = vector.broadcast %broadcast_in_dim3A_86 : f32 to vector<16xf32>
      %mul3A_88 = arith.constant 8 : i32
      %mul3A_89 = arith.muli %scan3A_54, %mul3A_88 : i32
      %add3A_90 = arith.constant 3 : i32
      %add3A_91 = arith.addi %mul3A_89, %add3A_90 : i32
      %swap3A_92 = arith.index_cast %add3A_91 : i32 to index
      %swap3A_93 = arith.constant 0 : index
      %swap3A_94 = tpu.vector_load %arg9[%swap3A_92, %swap3A_93] {strides = array<i32>} : memref<400x16xf32, #tpu.memory_space<vmem>>, vector<1x16xf32>,
      %swap3A_95 = vector.shape_cast %swap3A_94 : vector<1x16xf32> to vector<16xf32>
      %swap3A_96 = vector.shape_cast %broadcast_in_dim3A_87 : vector<16xf32> to vector<1x16xf32>
      tpu.vector_store %arg9[%swap3A_92, %swap3A_93], %swap3A_96 {strides = array<i32>} : memref<400x16xf32, #tpu.memory_space<vmem>>, vector<1x16xf32>,
      %broadcast_in_dim3A_97 = arith.constant 0.000000e+00 : f32
      %broadcast_in_dim3A_98 = vector.broadcast %broadcast_in_dim3A_97 : f32 to vector<16xf32>
      %mul3A_99 = arith.constant 8 : i32
      %mul3A_100 = arith.muli %scan3A_54, %mul3A_99 : i32
      %add3A_101 = arith.constant 4 : i32
      %add3A_102 = arith.addi %mul3A_100, %add3A_101 : i32
      %swap3A_103 = arith.index_cast %add3A_102 : i32 to index
      %swap3A_104 = arith.constant 0 : index
      %swap3A_105 = tpu.vector_load %arg9[%swap3A_103, %swap3A_104] {strides = array<i32>} : memref<400x16xf32, #tpu.memory_space<vmem>>, vector<1x16xf32>,
      %swap3A_106 = vector.shape_cast %swap3A_105 : vector<1x16xf32> to vector<16xf32>
      %swap3A_107 = vector.shape_cast %broadcast_in_dim3A_98 : vector<16xf32> to vector<1x16xf32>
      tpu.vector_store %arg9[%swap3A_103, %swap3A_104], %swap3A_107 {strides = array<i32>} : memref<400x16xf32, #tpu.memory_space<vmem>>, vector<1x16xf32>,
      %broadcast_in_dim3A_108 = arith.constant 0.000000e+00 : f32
      %broadcast_in_dim3A_109 = vector.broadcast %broadcast_in_dim3A_108 : f32 to vector<16xf32>
      %mul3A_110 = arith.constant 8 : i32
      %mul3A_111 = arith.muli %scan3A_54, %mul3A_110 : i32
      %add3A_112 = arith.constant 5 : i32
      %add3A_113 = arith.addi %mul3A_111, %add3A_112 : i32
      %swap3A_114 = arith.index_cast %add3A_113 : i32 to index
      %swap3A_115 = arith.constant 0 : index
      %swap3A_116 = tpu.vector_load %arg9[%swap3A_114, %swap3A_115] {strides = array<i32>} : memref<400x16xf32, #tpu.memory_space<vmem>>, vector<1x16xf32>,
      %swap3A_117 = vector.shape_cast %swap3A_116 : vector<1x16xf32> to vector<16xf32>
      %swap3A_118 = vector.shape_cast %broadcast_in_dim3A_109 : vector<16xf32> to vector<1x16xf32>
      tpu.vector_store %arg9[%swap3A_114, %swap3A_115], %swap3A_118 {strides = array<i32>} : memref<400x16xf32, #tpu.memory_space<vmem>>, vector<1x16xf32>,
      %broadcast_in_dim3A_119 = arith.constant 0.000000e+00 : f32
      %broadcast_in_dim3A_120 = vector.broadcast %broadcast_in_dim3A_119 : f32 to vector<16xf32>
      %mul3A_121 = arith.constant 8 : i32
      %mul3A_122 = arith.muli %scan3A_54, %mul3A_121 : i32
      %add3A_123 = arith.constant 6 : i32
      %add3A_124 = arith.addi %mul3A_122, %add3A_123 : i32
      %swap3A_125 = arith.index_cast %add3A_124 : i32 to index
      %swap3A_126 = arith.constant 0 : index
      %swap3A_127 = tpu.vector_load %arg9[%swap3A_125, %swap3A_126] {strides = array<i32>} : memref<400x16xf32, #tpu.memory_space<vmem>>, vector<1x16xf32>,
      %swap3A_128 = vector.shape_cast %swap3A_127 : vector<1x16xf32> to vector<16xf32>
      %swap3A_129 = vector.shape_cast %broadcast_in_dim3A_120 : vector<16xf32> to vector<1x16xf32>
      tpu.vector_store %arg9[%swap3A_125, %swap3A_126], %swap3A_129 {strides = array<i32>} : memref<400x16xf32, #tpu.memory_space<vmem>>, vector<1x16xf32>,
      %broadcast_in_dim3A_130 = arith.constant 0.000000e+00 : f32
      %broadcast_in_dim3A_131 = vector.broadcast %broadcast_in_dim3A_130 : f32 to vector<16xf32>
      %mul3A_132 = arith.constant 8 : i32
      %mul3A_133 = arith.muli %scan3A_54, %mul3A_132 : i32
      %add3A_134 = arith.constant 7 : i32
      %add3A_135 = arith.addi %mul3A_133, %add3A_134 : i32
      %swap3A_136 = arith.index_cast %add3A_135 : i32 to index
      %swap3A_137 = arith.constant 0 : index
      %swap3A_138 = tpu.vector_load %arg9[%swap3A_136, %swap3A_137] {strides = array<i32>} : memref<400x16xf32, #tpu.memory_space<vmem>>, vector<1x16xf32>,
      %swap3A_139 = vector.shape_cast %swap3A_138 : vector<1x16xf32> to vector<16xf32>
      %swap3A_140 = vector.shape_cast %broadcast_in_dim3A_131 : vector<16xf32> to vector<1x16xf32>
      tpu.vector_store %arg9[%swap3A_136, %swap3A_137], %swap3A_140 {strides = array<i32>} : memref<400x16xf32, #tpu.memory_space<vmem>>, vector<1x16xf32>,
    }
    %scan3A_9 = arith.constant 50 : i32
    %mul3A_10 = arith.constant 400 : i32
    %mul3A_11 = arith.muli %arg1, %mul3A_10 : i32
    "tpu.region"() ({
      %run_scoped3A = tpu.sem_alloc : memref<!tpu.dma_semaphore, #tpu.memory_space<semaphore_mem>>
      %dma_start3A_54 = arith.constant 0 : i32
      %dma_start3A_55 = tpu.memref_slice %arg10[%mul3A_11, %dma_start3A_54] : memref<10000x16xf32, #tpu.memory_space<vmem_shared>> -> memref<400x16xf32, #tpu.memory_space<vmem_shared>>
      %dma_start3A_56 = arith.constant 0 : i32
      %dma_start3A_57 = tpu.memref_slice %arg10[%mul3A_11, %dma_start3A_56] : memref<10000x16xf32, #tpu.memory_space<vmem_shared>> -> memref<400x16xf32, #tpu.memory_space<vmem_shared>>
      tpu.enqueue_dma source(%arg9 : memref<400x16xf32, #tpu.memory_space<vmem>>) target(%dma_start3A_57 : memref<400x16xf32, #tpu.memory_space<vmem_shared>>) target_semaphore(%run_scoped3A : memref<!tpu.dma_semaphore, #tpu.memory_space<semaphore_mem>>)
      %dma_wait3A_58 = arith.constant 0 : i32
      %dma_wait3A_59 = tpu.memref_slice %arg10[%mul3A_11, %dma_wait3A_58] : memref<10000x16xf32, #tpu.memory_space<vmem_shared>> -> memref<400x16xf32, #tpu.memory_space<vmem_shared>>
      %dma_wait3A_60 = arith.constant 0 : i32
      %dma_wait3A_61 = tpu.memref_slice %arg10[%mul3A_11, %dma_wait3A_60] : memref<10000x16xf32, #tpu.memory_space<vmem_shared>> -> memref<400x16xf32, #tpu.memory_space<vmem_shared>>
      tpu.wait_dma2 semaphore(%run_scoped3A : memref<!tpu.dma_semaphore, #tpu.memory_space<semaphore_mem>>) src(%arg9 : memref<400x16xf32, #tpu.memory_space<vmem>>) dst(%dma_wait3A_61 : memref<400x16xf32, #tpu.memory_space<vmem_shared>>)
      tpu.yield
    }) : () -> ()
    %lt3A = arith.constant 9 : i32
    %lt3A_12 = arith.cmpi slt, %arg1, %lt3A : i32
    %convert_element_type3A = arith.extui %lt3A_12 : i1 to i32
    %cond3A = arith.constant 0 : i32
    %cond3A_13 = arith.cmpi ne, %convert_element_type3A, %cond3A : i32
    scf.if %cond3A_13 {
      %add3A_54 = arith.constant 16 : i32
      %add3A_55 = arith.addi %arg1, %add3A_54 : i32
      %mul3A_56 = arith.constant 400 : i32
      %mul3A_57 = arith.muli %add3A_55, %mul3A_56 : i32
      "tpu.region"() ({
        %run_scoped3A = tpu.sem_alloc : memref<!tpu.dma_semaphore, #tpu.memory_space<semaphore_mem>>
        %dma_start3A_58 = arith.constant 0 : i32
        %dma_start3A_59 = tpu.memref_slice %arg10[%mul3A_57, %dma_start3A_58] : memref<10000x16xf32, #tpu.memory_space<vmem_shared>> -> memref<400x16xf32, #tpu.memory_space<vmem_shared>>
        %dma_start3A_60 = arith.constant 0 : i32
        %dma_start3A_61 = tpu.memref_slice %arg10[%mul3A_57, %dma_start3A_60] : memref<10000x16xf32, #tpu.memory_space<vmem_shared>> -> memref<400x16xf32, #tpu.memory_space<vmem_shared>>
        tpu.enqueue_dma source(%arg9 : memref<400x16xf32, #tpu.memory_space<vmem>>) target(%dma_start3A_61 : memref<400x16xf32, #tpu.memory_space<vmem_shared>>) target_semaphore(%run_scoped3A : memref<!tpu.dma_semaphore, #tpu.memory_space<semaphore_mem>>)
        %dma_wait3A_62 = arith.constant 0 : i32
        %dma_wait3A_63 = tpu.memref_slice %arg10[%mul3A_57, %dma_wait3A_62] : memref<10000x16xf32, #tpu.memory_space<vmem_shared>> -> memref<400x16xf32, #tpu.memory_space<vmem_shared>>
        %dma_wait3A_64 = arith.constant 0 : i32
        %dma_wait3A_65 = tpu.memref_slice %arg10[%mul3A_57, %dma_wait3A_64] : memref<10000x16xf32, #tpu.memory_space<vmem_shared>> -> memref<400x16xf32, #tpu.memory_space<vmem_shared>>
        tpu.wait_dma2 semaphore(%run_scoped3A : memref<!tpu.dma_semaphore, #tpu.memory_space<semaphore_mem>>) src(%arg9 : memref<400x16xf32, #tpu.memory_space<vmem>>) dst(%dma_wait3A_65 : memref<400x16xf32, #tpu.memory_space<vmem_shared>>)
        tpu.yield
      }) : () -> ()
    } else {
    }
    %barrier3A = arith.constant 0 : index
    tpu.barrier barrier_id(%barrier3A)
    %dma_start3A = arith.constant 0 : i32
    %dma_start3A_14 = arith.constant 0 : i32
    %dma_start3A_15 = tpu.memref_slice %arg8[%dma_start3A, %dma_start3A_14] : memref<5000x16xf32, #tpu.memory_space<vmem>> -> memref<2560x16xf32, #tpu.memory_space<vmem>>
    %dma_start3A_16 = arith.constant 0 : i32
    %dma_start3A_17 = tpu.memref_slice %arg6[%dma_start3A_16] : memref<5000xi32, #tpu.memory_space<vmem>> -> memref<2560xi32, #tpu.memory_space<vmem>>
    %dma_start3A_18 = arith.constant 0 : i32
    %dma_start3A_19 = arith.constant 0 : i32
    %dma_start3A_20 = tpu.memref_slice %arg2[%dma_start3A_18, %dma_start3A_19] : memref<10000x16xf32, #tpu.memory_space<hbm>> -> memref<10000x16xf32, #tpu.memory_space<hbm>>
    tpu.enqueue_indirect_dma source(%dma_start3A_20 : memref<10000x16xf32, #tpu.memory_space<hbm>>) target(%dma_start3A_15 : memref<2560x16xf32, #tpu.memory_space<vmem>>) offsets(%dma_start3A_17 : memref<2560xi32, #tpu.memory_space<vmem>>) semaphore(%arg11 : memref<!tpu.dma_semaphore, #tpu.memory_space<semaphore_mem>>)
    %dma_start3A_21 = arith.constant 2560 : i32
    %dma_start3A_22 = arith.constant 0 : i32
    %dma_start3A_23 = tpu.memref_slice %arg8[%dma_start3A_21, %dma_start3A_22] : memref<5000x16xf32, #tpu.memory_space<vmem>> -> memref<2440x16xf32, #tpu.memory_space<vmem>>
    %dma_start3A_24 = arith.constant 2560 : i32
    %dma_start3A_25 = tpu.memref_slice %arg6[%dma_start3A_24] : memref<5000xi32, #tpu.memory_space<vmem>> -> memref<2440xi32, #tpu.memory_space<vmem>>
    %dma_start3A_26 = arith.constant 0 : i32
    %dma_start3A_27 = arith.constant 0 : i32
    %dma_start3A_28 = tpu.memref_slice %arg2[%dma_start3A_26, %dma_start3A_27] : memref<10000x16xf32, #tpu.memory_space<hbm>> -> memref<10000x16xf32, #tpu.memory_space<hbm>>
    tpu.enqueue_indirect_dma source(%dma_start3A_28 : memref<10000x16xf32, #tpu.memory_space<hbm>>) target(%dma_start3A_23 : memref<2440x16xf32, #tpu.memory_space<vmem>>) offsets(%dma_start3A_25 : memref<2440xi32, #tpu.memory_space<vmem>>) semaphore(%arg12 : memref<!tpu.dma_semaphore, #tpu.memory_space<semaphore_mem>>)
    %dma_wait3A = arith.constant 0 : i32
    %dma_wait3A_29 = arith.constant 0 : i32
    %dma_wait3A_30 = tpu.memref_slice %arg8[%dma_wait3A, %dma_wait3A_29] : memref<5000x16xf32, #tpu.memory_space<vmem>> -> memref<2560x16xf32, #tpu.memory_space<vmem>>
    %dma_wait3A_31 = arith.constant 0 : i32
    %dma_wait3A_32 = tpu.memref_slice %arg6[%dma_wait3A_31] : memref<5000xi32, #tpu.memory_space<vmem>> -> memref<2560xi32, #tpu.memory_space<vmem>>
    %dma_wait3A_33 = arith.constant 0 : i32
    %dma_wait3A_34 = arith.constant 0 : i32
    %dma_wait3A_35 = tpu.memref_slice %arg2[%dma_wait3A_33, %dma_wait3A_34] : memref<10000x16xf32, #tpu.memory_space<hbm>> -> memref<10000x16xf32, #tpu.memory_space<hbm>>
    tpu.wait_indirect_dma semaphore(%arg11 : memref<!tpu.dma_semaphore, #tpu.memory_space<semaphore_mem>>) src(%dma_wait3A_35 : memref<10000x16xf32, #tpu.memory_space<hbm>>) dst(%dma_wait3A_30 : memref<2560x16xf32, #tpu.memory_space<vmem>>)
    "tpu.region"() ({
      %run_scoped3A = tpu.sem_alloc : memref<!tpu.dma_semaphore, #tpu.memory_space<semaphore_mem>>
      %dma_start3A_54 = arith.constant 0 : i32
      %dma_start3A_55 = arith.constant 0 : i32
      %dma_start3A_56 = tpu.memref_slice %arg8[%dma_start3A_54, %dma_start3A_55] : memref<5000x16xf32, #tpu.memory_space<vmem>> -> memref<2560x16xf32, #tpu.memory_space<vmem>>
      %dma_start3A_57 = arith.constant 0 : i32
      %dma_start3A_58 = tpu.memref_slice %arg7[%dma_start3A_57] : memref<5000xi32, #tpu.memory_space<vmem>> -> memref<2560xi32, #tpu.memory_space<vmem>>
      %dma_start3A_59 = arith.constant 0 : i32
      %dma_start3A_60 = arith.constant 0 : i32
      %dma_start3A_61 = tpu.memref_slice %arg10[%dma_start3A_59, %dma_start3A_60] : memref<10000x16xf32, #tpu.memory_space<vmem_shared>> -> memref<10000x16xf32, #tpu.memory_space<vmem_shared>>
      tpu.enqueue_indirect_dma source(%dma_start3A_56 : memref<2560x16xf32, #tpu.memory_space<vmem>>) target(%dma_start3A_61 : memref<10000x16xf32, #tpu.memory_space<vmem_shared>>) offsets(%dma_start3A_58 : memref<2560xi32, #tpu.memory_space<vmem>>) semaphore(%run_scoped3A : memref<!tpu.dma_semaphore, #tpu.memory_space<semaphore_mem>>) {add = true}
      %dma_wait3A_62 = arith.constant 0 : i32
      %dma_wait3A_63 = arith.constant 0 : i32
      %dma_wait3A_64 = tpu.memref_slice %arg8[%dma_wait3A_62, %dma_wait3A_63] : memref<5000x16xf32, #tpu.memory_space<vmem>> -> memref<2560x16xf32, #tpu.memory_space<vmem>>
      %dma_wait3A_65 = arith.constant 0 : i32
      %dma_wait3A_66 = tpu.memref_slice %arg7[%dma_wait3A_65] : memref<5000xi32, #tpu.memory_space<vmem>> -> memref<2560xi32, #tpu.memory_space<vmem>>
      %dma_wait3A_67 = arith.constant 0 : i32
      %dma_wait3A_68 = arith.constant 0 : i32
      %dma_wait3A_69 = tpu.memref_slice %arg10[%dma_wait3A_67, %dma_wait3A_68] : memref<10000x16xf32, #tpu.memory_space<vmem_shared>> -> memref<10000x16xf32, #tpu.memory_space<vmem_shared>>
      tpu.wait_indirect_dma semaphore(%run_scoped3A : memref<!tpu.dma_semaphore, #tpu.memory_space<semaphore_mem>>) src(%dma_wait3A_64 : memref<2560x16xf32, #tpu.memory_space<vmem>>) dst(%dma_wait3A_69 : memref<10000x16xf32, #tpu.memory_space<vmem_shared>>)
      tpu.yield
    }) : () -> ()
    %dma_wait3A_36 = arith.constant 2560 : i32
    %dma_wait3A_37 = arith.constant 0 : i32
    %dma_wait3A_38 = tpu.memref_slice %arg8[%dma_wait3A_36, %dma_wait3A_37] : memref<5000x16xf32, #tpu.memory_space<vmem>> -> memref<2440x16xf32, #tpu.memory_space<vmem>>
    %dma_wait3A_39 = arith.constant 2560 : i32
    %dma_wait3A_40 = tpu.memref_slice %arg6[%dma_wait3A_39] : memref<5000xi32, #tpu.memory_space<vmem>> -> memref<2440xi32, #tpu.memory_space<vmem>>
    %dma_wait3A_41 = arith.constant 0 : i32
    %dma_wait3A_42 = arith.constant 0 : i32
    %dma_wait3A_43 = tpu.memref_slice %arg2[%dma_wait3A_41, %dma_wait3A_42] : memref<10000x16xf32, #tpu.memory_space<hbm>> -> memref<10000x16xf32, #tpu.memory_space<hbm>>
    tpu.wait_indirect_dma semaphore(%arg12 : memref<!tpu.dma_semaphore, #tpu.memory_space<semaphore_mem>>) src(%dma_wait3A_43 : memref<10000x16xf32, #tpu.memory_space<hbm>>) dst(%dma_wait3A_38 : memref<2440x16xf32, #tpu.memory_space<vmem>>)
    "tpu.region"() ({
      %run_scoped3A = tpu.sem_alloc : memref<!tpu.dma_semaphore, #tpu.memory_space<semaphore_mem>>
      %dma_start3A_54 = arith.constant 2560 : i32
      %dma_start3A_55 = arith.constant 0 : i32
      %dma_start3A_56 = tpu.memref_slice %arg8[%dma_start3A_54, %dma_start3A_55] : memref<5000x16xf32, #tpu.memory_space<vmem>> -> memref<2440x16xf32, #tpu.memory_space<vmem>>
      %dma_start3A_57 = arith.constant 2560 : i32
      %dma_start3A_58 = tpu.memref_slice %arg7[%dma_start3A_57] : memref<5000xi32, #tpu.memory_space<vmem>> -> memref<2440xi32, #tpu.memory_space<vmem>>
      %dma_start3A_59 = arith.constant 0 : i32
      %dma_start3A_60 = arith.constant 0 : i32
      %dma_start3A_61 = tpu.memref_slice %arg10[%dma_start3A_59, %dma_start3A_60] : memref<10000x16xf32, #tpu.memory_space<vmem_shared>> -> memref<10000x16xf32, #tpu.memory_space<vmem_shared>>
      tpu.enqueue_indirect_dma source(%dma_start3A_56 : memref<2440x16xf32, #tpu.memory_space<vmem>>) target(%dma_start3A_61 : memref<10000x16xf32, #tpu.memory_space<vmem_shared>>) offsets(%dma_start3A_58 : memref<2440xi32, #tpu.memory_space<vmem>>) semaphore(%run_scoped3A : memref<!tpu.dma_semaphore, #tpu.memory_space<semaphore_mem>>) {add = true}
      %dma_wait3A_62 = arith.constant 2560 : i32
      %dma_wait3A_63 = arith.constant 0 : i32
      %dma_wait3A_64 = tpu.memref_slice %arg8[%dma_wait3A_62, %dma_wait3A_63] : memref<5000x16xf32, #tpu.memory_space<vmem>> -> memref<2440x16xf32, #tpu.memory_space<vmem>>
      %dma_wait3A_65 = arith.constant 2560 : i32
      %dma_wait3A_66 = tpu.memref_slice %arg7[%dma_wait3A_65] : memref<5000xi32, #tpu.memory_space<vmem>> -> memref<2440xi32, #tpu.memory_space<vmem>>
      %dma_wait3A_67 = arith.constant 0 : i32
      %dma_wait3A_68 = arith.constant 0 : i32
      %dma_wait3A_69 = tpu.memref_slice %arg10[%dma_wait3A_67, %dma_wait3A_68] : memref<10000x16xf32, #tpu.memory_space<vmem_shared>> -> memref<10000x16xf32, #tpu.memory_space<vmem_shared>>
      tpu.wait_indirect_dma semaphore(%run_scoped3A : memref<!tpu.dma_semaphore, #tpu.memory_space<semaphore_mem>>) src(%dma_wait3A_64 : memref<2440x16xf32, #tpu.memory_space<vmem>>) dst(%dma_wait3A_69 : memref<10000x16xf32, #tpu.memory_space<vmem_shared>>)
      tpu.yield
    }) : () -> ()
    %barrier3A_44 = arith.constant 0 : index
    tpu.barrier barrier_id(%barrier3A_44)
    %mul3A_45 = arith.constant 400 : i32
    %mul3A_46 = arith.muli %arg1, %mul3A_45 : i32
    %mul3A_47 = arith.constant 400 : i32
    %mul3A_48 = arith.muli %arg1, %mul3A_47 : i32
    "tpu.region"() ({
      %run_scoped3A = tpu.sem_alloc : memref<!tpu.dma_semaphore, #tpu.memory_space<semaphore_mem>>
      %dma_start3A_54 = arith.constant 0 : i32
      %dma_start3A_55 = tpu.memref_slice %arg5[%arg0, %mul3A_48, %dma_start3A_54] : memref<2x10000x16xf32, #tpu.memory_space<hbm>> -> memref<1x400x16xf32, #tpu.memory_space<hbm>>
      %dma_start3A_56 = tpu.memref_squeeze %dma_start3A_55 : memref<1x400x16xf32, #tpu.memory_space<hbm>> -> memref<400x16xf32, #tpu.memory_space<hbm>>
      %dma_start3A_57 = arith.constant 0 : i32
      %dma_start3A_58 = tpu.memref_slice %arg10[%mul3A_46, %dma_start3A_57] : memref<10000x16xf32, #tpu.memory_space<vmem_shared>> -> memref<400x16xf32, #tpu.memory_space<vmem_shared>>
      tpu.enqueue_dma source(%dma_start3A_58 : memref<400x16xf32, #tpu.memory_space<vmem_shared>>) target(%dma_start3A_56 : memref<400x16xf32, #tpu.memory_space<hbm>>) target_semaphore(%run_scoped3A : memref<!tpu.dma_semaphore, #tpu.memory_space<semaphore_mem>>)
      %dma_wait3A_59 = arith.constant 0 : i32
      %dma_wait3A_60 = tpu.memref_slice %arg5[%arg0, %mul3A_48, %dma_wait3A_59] : memref<2x10000x16xf32, #tpu.memory_space<hbm>> -> memref<1x400x16xf32, #tpu.memory_space<hbm>>
      %dma_wait3A_61 = tpu.memref_squeeze %dma_wait3A_60 : memref<1x400x16xf32, #tpu.memory_space<hbm>> -> memref<400x16xf32, #tpu.memory_space<hbm>>
      %dma_wait3A_62 = arith.constant 0 : i32
      %dma_wait3A_63 = tpu.memref_slice %arg10[%mul3A_46, %dma_wait3A_62] : memref<10000x16xf32, #tpu.memory_space<vmem_shared>> -> memref<400x16xf32, #tpu.memory_space<vmem_shared>>
      tpu.wait_dma2 semaphore(%run_scoped3A : memref<!tpu.dma_semaphore, #tpu.memory_space<semaphore_mem>>) src(%dma_wait3A_63 : memref<400x16xf32, #tpu.memory_space<vmem_shared>>) dst(%dma_wait3A_61 : memref<400x16xf32, #tpu.memory_space<hbm>>)
      tpu.yield
    }) : () -> ()
    %lt3A_49 = arith.constant 9 : i32
    %lt3A_50 = arith.cmpi slt, %arg1, %lt3A_49 : i32
    %convert_element_type3A_51 = arith.extui %lt3A_50 : i1 to i32
    %cond3A_52 = arith.constant 0 : i32
    %cond3A_53 = arith.cmpi ne, %convert_element_type3A_51, %cond3A_52 : i32
    scf.if %cond3A_53 {
      %add3A_54 = arith.constant 16 : i32
      %add3A_55 = arith.addi %arg1, %add3A_54 : i32
      %mul3A_56 = arith.constant 400 : i32
      %mul3A_57 = arith.muli %add3A_55, %mul3A_56 : i32
      %add3A_58 = arith.constant 16 : i32
      %add3A_59 = arith.addi %arg1, %add3A_58 : i32
      %mul3A_60 = arith.constant 400 : i32
      %mul3A_61 = arith.muli %add3A_59, %mul3A_60 : i32
      "tpu.region"() ({
        %run_scoped3A = tpu.sem_alloc : memref<!tpu.dma_semaphore, #tpu.memory_space<semaphore_mem>>
        %dma_start3A_62 = arith.constant 0 : i32
        %dma_start3A_63 = tpu.memref_slice %arg5[%arg0, %mul3A_61, %dma_start3A_62] : memref<2x10000x16xf32, #tpu.memory_space<hbm>> -> memref<1x400x16xf32, #tpu.memory_space<hbm>>
        %dma_start3A_64 = tpu.memref_squeeze %dma_start3A_63 : memref<1x400x16xf32, #tpu.memory_space<hbm>> -> memref<400x16xf32, #tpu.memory_space<hbm>>
        %dma_start3A_65 = arith.constant 0 : i32
        %dma_start3A_66 = tpu.memref_slice %arg10[%mul3A_57, %dma_start3A_65] : memref<10000x16xf32, #tpu.memory_space<vmem_shared>> -> memref<400x16xf32, #tpu.memory_space<vmem_shared>>
        tpu.enqueue_dma source(%dma_start3A_66 : memref<400x16xf32, #tpu.memory_space<vmem_shared>>) target(%dma_start3A_64 : memref<400x16xf32, #tpu.memory_space<hbm>>) target_semaphore(%run_scoped3A : memref<!tpu.dma_semaphore, #tpu.memory_space<semaphore_mem>>)
        %dma_wait3A_67 = arith.constant 0 : i32
        %dma_wait3A_68 = tpu.memref_slice %arg5[%arg0, %mul3A_61, %dma_wait3A_67] : memref<2x10000x16xf32, #tpu.memory_space<hbm>> -> memref<1x400x16xf32, #tpu.memory_space<hbm>>
        %dma_wait3A_69 = tpu.memref_squeeze %dma_wait3A_68 : memref<1x400x16xf32, #tpu.memory_space<hbm>> -> memref<400x16xf32, #tpu.memory_space<hbm>>
        %dma_wait3A_70 = arith.constant 0 : i32
        %dma_wait3A_71 = tpu.memref_slice %arg10[%mul3A_57, %dma_wait3A_70] : memref<10000x16xf32, #tpu.memory_space<vmem_shared>> -> memref<400x16xf32, #tpu.memory_space<vmem_shared>>
        tpu.wait_dma2 semaphore(%run_scoped3A : memref<!tpu.dma_semaphore, #tpu.memory_space<semaphore_mem>>) src(%dma_wait3A_71 : memref<400x16xf32, #tpu.memory_space<vmem_shared>>) dst(%dma_wait3A_69 : memref<400x16xf32, #tpu.memory_space<hbm>>)
        tpu.yield
      }) : () -> ()
    } else {
    }
    return
  }
}

module attributes {stable_mosaic.version = 14 : i64} {
  func.func @_tc1_body(%arg0: i32, %arg1: memref<1250x2048xf32, #tpu.memory_space<vmem>>, %arg2: memref<2048x128xf32, #tpu.memory_space<vmem>>, %arg3: memref<1x1250x128xf32, #tpu.memory_space<vmem>>, %arg4: memref<1x1250x128xf32, #tpu.memory_space<vmem>>, %arg5: memref<1250x128xf32, #tpu.memory_space<vmem>>, %arg6: memref<1250x128xf32, #tpu.memory_space<vmem>>) attributes {dimension_semantics = [#tpu.dimension_semantics<arbitrary>], iteration_bounds = array<i64: 1>, scalar_prefetch = 0 : i64, scratch_operands = 0 : i64, tpu.core_type = #tpu.core_type<tc>, window_params = [{pipeline_mode = #tpu.pipeline_mode<synchronous>, transform_indices = @transform_0, window_bounds = array<i64: 1250, 2048>}, {pipeline_mode = #tpu.pipeline_mode<synchronous>, transform_indices = @transform_1, window_bounds = array<i64: 2048, 128>}, {transform_indices = @transform_2, window_bounds = array<i64: 1, 1250, 128>}, {transform_indices = @transform_3, window_bounds = array<i64: 1, 1250, 128>}, {pipeline_mode = #tpu.pipeline_mode<synchronous>, transform_indices = @transform_4, window_bounds = array<i64: 1250, 128>}, {pipeline_mode = #tpu.pipeline_mode<synchronous>, transform_indices = @transform_5, window_bounds = array<i64: 1250, 128>}]} {
    %get3A = arith.constant 0 : index
    %get3A_0 = arith.constant 0 : index
    %get3A_1 = arith.constant 0 : index
    %get3A_2 = vector.load %arg3[%get3A, %get3A_0, %get3A_1] : memref<1x1250x128xf32, #tpu.memory_space<vmem>>, vector<1x1250x128xf32>
    %get3A_3 = vector.shape_cast %get3A_2 : vector<1x1250x128xf32> to vector<1250x128xf32>
    %get3A_4 = arith.constant 0 : index
    %get3A_5 = arith.constant 0 : index
    %get3A_6 = arith.constant 0 : index
    %get3A_7 = vector.load %arg4[%get3A_4, %get3A_5, %get3A_6] : memref<1x1250x128xf32, #tpu.memory_space<vmem>>, vector<1x1250x128xf32>
    %get3A_8 = vector.shape_cast %get3A_7 : vector<1x1250x128xf32> to vector<1250x128xf32>
    %add3A = arith.addf %get3A_3, %get3A_8 : vector<1250x128xf32>
    %add3A_9 = arith.constant 1.000000e+00 : f32
    %add3A_10 = vector.broadcast %add3A_9 : f32 to vector<1250x128xf32>
    %add3A_11 = arith.addf %add3A, %add3A_10 : vector<1250x128xf32>
    %rsqrt3A = math.rsqrt %add3A_11 : vector<1250x128xf32>
    %get3A_12 = arith.constant 0 : index
    %get3A_13 = arith.constant 0 : index
    %get3A_14 = vector.load %arg1[%get3A_12, %get3A_13] : memref<1250x2048xf32, #tpu.memory_space<vmem>>, vector<1250x2048xf32>
    %get3A_15 = arith.constant 0 : index
    %get3A_16 = arith.constant 0 : index
    %get3A_17 = vector.load %arg2[%get3A_15, %get3A_16] : memref<2048x128xf32, #tpu.memory_space<vmem>>, vector<2048x128xf32>
    %dot_general3A = arith.constant dense<0.000000e+00> : vector<1250x128xf32>
    %dot_general3A_18 = tpu.matmul %get3A_14, %get3A_17, %dot_general3A {dimension_numbers = #tpu.dot_dimension_numbers<[1], [0], [0], [1], [0, 0, 1, 1], [], []>, transpose_lhs_hint = false} : vector<1250x2048xf32>, vector<2048x128xf32>, vector<1250x128xf32> -> vector<1250x128xf32>
    %mul3A = arith.mulf %dot_general3A_18, %rsqrt3A : vector<1250x128xf32>
    %swap3A = arith.constant 0 : index
    %swap3A_19 = arith.constant 0 : index
    %swap3A_20 = vector.load %arg5[%swap3A, %swap3A_19] : memref<1250x128xf32, #tpu.memory_space<vmem>>, vector<1250x128xf32>
    tpu.vector_store %arg5[%swap3A, %swap3A_19], %mul3A {strides = array<i32>} : memref<1250x128xf32, #tpu.memory_space<vmem>>, vector<1250x128xf32>,
    %swap3A_21 = arith.constant 0 : index
    %swap3A_22 = arith.constant 0 : index
    %swap3A_23 = vector.load %arg6[%swap3A_21, %swap3A_22] : memref<1250x128xf32, #tpu.memory_space<vmem>>, vector<1250x128xf32>
    tpu.vector_store %arg6[%swap3A_21, %swap3A_22], %rsqrt3A {strides = array<i32>} : memref<1250x128xf32, #tpu.memory_space<vmem>>, vector<1250x128xf32>,
    return
  }
  func.func @transform_0(%arg0: i32) -> (i32, i32) {
    %c0_i32 = arith.constant 0 : i32
    %c0_i32_0 = arith.constant 0 : i32
    %c0_i32_1 = arith.constant 0 : i32
    return %c0_i32, %c0_i32_0 : i32, i32
  }
  func.func @transform_1(%arg0: i32) -> (i32, i32) {
    %c0_i32 = arith.constant 0 : i32
    %c0_i32_0 = arith.constant 0 : i32
    %c0_i32_1 = arith.constant 0 : i32
    return %c0_i32, %c0_i32_0 : i32, i32
  }
  func.func @transform_2(%arg0: i32) -> (i32, i32, i32) {
    %c0_i32 = arith.constant 0 : i32
    %c0_i32_0 = arith.constant 0 : i32
    %c0_i32_1 = arith.constant 0 : i32
    %c0_i32_2 = arith.constant 0 : i32
    return %c0_i32, %c0_i32_0, %c0_i32_1 : i32, i32, i32
  }
  func.func @transform_3(%arg0: i32) -> (i32, i32, i32) {
    %c1_i32 = arith.constant 1 : i32
    %c0_i32 = arith.constant 0 : i32
    %c0_i32_0 = arith.constant 0 : i32
    %c0_i32_1 = arith.constant 0 : i32
    return %c1_i32, %c0_i32, %c0_i32_0 : i32, i32, i32
  }
  func.func @transform_4(%arg0: i32) -> (i32, i32) {
    %c0_i32 = arith.constant 0 : i32
    %c0_i32_0 = arith.constant 0 : i32
    %c0_i32_1 = arith.constant 0 : i32
    return %c0_i32, %c0_i32_0 : i32, i32
  }
  func.func @transform_5(%arg0: i32) -> (i32, i32) {
    %c0_i32 = arith.constant 0 : i32
    %c0_i32_0 = arith.constant 0 : i32
    %c0_i32_1 = arith.constant 0 : i32
    return %c0_i32, %c0_i32_0 : i32, i32
  }
}

module attributes {stable_mosaic.version = 14 : i64} {
  func.func @_tc2_body(%arg0: i32, %arg1: memref<1x1250x128xf32, #tpu.memory_space<vmem>>, %arg2: memref<1x1250x128xf32, #tpu.memory_space<vmem>>, %arg3: memref<1250x128xf32, #tpu.memory_space<vmem>>, %arg4: memref<1250x128xf32, #tpu.memory_space<vmem>>, %arg5: memref<1x128xf32, #tpu.memory_space<vmem>>, %arg6: memref<128x128xf32, #tpu.memory_space<vmem>>, %arg7: memref<1250x128xf32, #tpu.memory_space<vmem>>) attributes {dimension_semantics = [#tpu.dimension_semantics<arbitrary>], iteration_bounds = array<i64: 1>, scalar_prefetch = 0 : i64, scratch_operands = 0 : i64, tpu.core_type = #tpu.core_type<tc>, window_params = [{transform_indices = @transform_0, window_bounds = array<i64: 1, 1250, 128>}, {transform_indices = @transform_1, window_bounds = array<i64: 1, 1250, 128>}, {pipeline_mode = #tpu.pipeline_mode<synchronous>, transform_indices = @transform_2, window_bounds = array<i64: 1250, 128>}, {pipeline_mode = #tpu.pipeline_mode<synchronous>, transform_indices = @transform_3, window_bounds = array<i64: 1250, 128>}, {pipeline_mode = #tpu.pipeline_mode<synchronous>, transform_indices = @transform_4, window_bounds = array<i64: 1, 128>}, {pipeline_mode = #tpu.pipeline_mode<synchronous>, transform_indices = @transform_5, window_bounds = array<i64: 128, 128>}, {pipeline_mode = #tpu.pipeline_mode<synchronous>, transform_indices = @transform_6, window_bounds = array<i64: 1250, 128>}]} {
    %get3A = arith.constant 0 : index
    %get3A_0 = arith.constant 0 : index
    %get3A_1 = vector.load %arg4[%get3A, %get3A_0] : memref<1250x128xf32, #tpu.memory_space<vmem>>, vector<1250x128xf32>
    %get3A_2 = arith.constant 0 : index
    %get3A_3 = arith.constant 0 : index
    %get3A_4 = arith.constant 0 : index
    %get3A_5 = vector.load %arg1[%get3A_2, %get3A_3, %get3A_4] : memref<1x1250x128xf32, #tpu.memory_space<vmem>>, vector<1x1250x128xf32>
    %get3A_6 = vector.shape_cast %get3A_5 : vector<1x1250x128xf32> to vector<1250x128xf32>
    %get3A_7 = arith.constant 0 : index
    %get3A_8 = arith.constant 0 : index
    %get3A_9 = arith.constant 0 : index
    %get3A_10 = vector.load %arg2[%get3A_7, %get3A_8, %get3A_9] : memref<1x1250x128xf32, #tpu.memory_space<vmem>>, vector<1x1250x128xf32>
    %get3A_11 = vector.shape_cast %get3A_10 : vector<1x1250x128xf32> to vector<1250x128xf32>
    %add3A = arith.addf %get3A_6, %get3A_11 : vector<1250x128xf32>
    %get3A_12 = arith.constant 0 : index
    %get3A_13 = arith.constant 0 : index
    %get3A_14 = vector.load %arg3[%get3A_12, %get3A_13] : memref<1250x128xf32, #tpu.memory_space<vmem>>, vector<1250x128xf32>
    %add3A_15 = arith.addf %add3A, %get3A_14 : vector<1250x128xf32>
    %mul3A = arith.mulf %get3A_1, %add3A_15 : vector<1250x128xf32>
    %get3A_16 = arith.constant 0 : index
    %get3A_17 = arith.constant 0 : index
    %get3A_18 = vector.load %arg5[%get3A_16, %get3A_17] : memref<1x128xf32, #tpu.memory_space<vmem>>, vector<1x128xf32>
    %add3A_19 = vector.broadcast %get3A_18 : vector<1x128xf32> to vector<1250x128xf32>
    %add3A_20 = arith.addf %mul3A, %add3A_19 : vector<1250x128xf32>
    %max3A = arith.constant 0.000000e+00 : f32
    %max3A_21 = vector.broadcast %max3A : f32 to vector<1250x128xf32>
    %max3A_22 = arith.maximumf %add3A_20, %max3A_21 : vector<1250x128xf32>
    %get3A_23 = arith.constant 0 : index
    %get3A_24 = arith.constant 0 : index
    %get3A_25 = vector.load %arg6[%get3A_23, %get3A_24] : memref<128x128xf32, #tpu.memory_space<vmem>>, vector<128x128xf32>
    %dot_general3A = arith.constant dense<0.000000e+00> : vector<1250x128xf32>
    %dot_general3A_26 = tpu.matmul %max3A_22, %get3A_25, %dot_general3A {dimension_numbers = #tpu.dot_dimension_numbers<[1], [0], [0], [1], [0, 0, 1, 1], [], []>, transpose_lhs_hint = false} : vector<1250x128xf32>, vector<128x128xf32>, vector<1250x128xf32> -> vector<1250x128xf32>
    %mul3A_27 = arith.mulf %dot_general3A_26, %get3A_1 : vector<1250x128xf32>
    %swap3A = arith.constant 0 : index
    %swap3A_28 = arith.constant 0 : index
    %swap3A_29 = vector.load %arg7[%swap3A, %swap3A_28] : memref<1250x128xf32, #tpu.memory_space<vmem>>, vector<1250x128xf32>
    tpu.vector_store %arg7[%swap3A, %swap3A_28], %mul3A_27 {strides = array<i32>} : memref<1250x128xf32, #tpu.memory_space<vmem>>, vector<1250x128xf32>,
    return
  }
  func.func @transform_0(%arg0: i32) -> (i32, i32, i32) {
    %c0_i32 = arith.constant 0 : i32
    %c0_i32_0 = arith.constant 0 : i32
    %c0_i32_1 = arith.constant 0 : i32
    %c0_i32_2 = arith.constant 0 : i32
    return %c0_i32, %c0_i32_0, %c0_i32_1 : i32, i32, i32
  }
  func.func @transform_1(%arg0: i32) -> (i32, i32, i32) {
    %c1_i32 = arith.constant 1 : i32
    %c0_i32 = arith.constant 0 : i32
    %c0_i32_0 = arith.constant 0 : i32
    %c0_i32_1 = arith.constant 0 : i32
    return %c1_i32, %c0_i32, %c0_i32_0 : i32, i32, i32
  }
  func.func @transform_2(%arg0: i32) -> (i32, i32) {
    %c0_i32 = arith.constant 0 : i32
    %c0_i32_0 = arith.constant 0 : i32
    %c0_i32_1 = arith.constant 0 : i32
    return %c0_i32, %c0_i32_0 : i32, i32
  }
  func.func @transform_3(%arg0: i32) -> (i32, i32) {
    %c0_i32 = arith.constant 0 : i32
    %c0_i32_0 = arith.constant 0 : i32
    %c0_i32_1 = arith.constant 0 : i32
    return %c0_i32, %c0_i32_0 : i32, i32
  }
  func.func @transform_4(%arg0: i32) -> (i32, i32) {
    %c0_i32 = arith.constant 0 : i32
    %c0_i32_0 = arith.constant 0 : i32
    %c0_i32_1 = arith.constant 0 : i32
    return %c0_i32, %c0_i32_0 : i32, i32
  }
  func.func @transform_5(%arg0: i32) -> (i32, i32) {
    %c0_i32 = arith.constant 0 : i32
    %c0_i32_0 = arith.constant 0 : i32
    %c0_i32_1 = arith.constant 0 : i32
    return %c0_i32, %c0_i32_0 : i32, i32
  }
  func.func @transform_6(%arg0: i32) -> (i32, i32) {
    %c0_i32 = arith.constant 0 : i32
    %c0_i32_0 = arith.constant 0 : i32
    %c0_i32_1 = arith.constant 0 : i32
    return %c0_i32, %c0_i32_0 : i32, i32
  }
}

module attributes {stable_mosaic.version = 14 : i64} {
  func.func @_tc3_body(%arg0: i32, %arg1: memref<1x1250x128xf32, #tpu.memory_space<vmem>>, %arg2: memref<1x1250x128xf32, #tpu.memory_space<vmem>>, %arg3: memref<1250x128xf32, #tpu.memory_space<vmem>>, %arg4: memref<1250x128xf32, #tpu.memory_space<vmem>>, %arg5: memref<1x128xf32, #tpu.memory_space<vmem>>, %arg6: memref<1250x128xf32, #tpu.memory_space<vmem>>) attributes {dimension_semantics = [#tpu.dimension_semantics<arbitrary>], iteration_bounds = array<i64: 1>, scalar_prefetch = 0 : i64, scratch_operands = 0 : i64, tpu.core_type = #tpu.core_type<tc>, window_params = [{transform_indices = @transform_0, window_bounds = array<i64: 1, 1250, 128>}, {transform_indices = @transform_1, window_bounds = array<i64: 1, 1250, 128>}, {pipeline_mode = #tpu.pipeline_mode<synchronous>, transform_indices = @transform_2, window_bounds = array<i64: 1250, 128>}, {pipeline_mode = #tpu.pipeline_mode<synchronous>, transform_indices = @transform_3, window_bounds = array<i64: 1250, 128>}, {pipeline_mode = #tpu.pipeline_mode<synchronous>, transform_indices = @transform_4, window_bounds = array<i64: 1, 128>}, {pipeline_mode = #tpu.pipeline_mode<synchronous>, transform_indices = @transform_5, window_bounds = array<i64: 1250, 128>}]} {
    %get3A = arith.constant 0 : index
    %get3A_0 = arith.constant 0 : index
    %get3A_1 = vector.load %arg4[%get3A, %get3A_0] : memref<1250x128xf32, #tpu.memory_space<vmem>>, vector<1250x128xf32>
    %get3A_2 = arith.constant 0 : index
    %get3A_3 = arith.constant 0 : index
    %get3A_4 = arith.constant 0 : index
    %get3A_5 = vector.load %arg1[%get3A_2, %get3A_3, %get3A_4] : memref<1x1250x128xf32, #tpu.memory_space<vmem>>, vector<1x1250x128xf32>
    %get3A_6 = vector.shape_cast %get3A_5 : vector<1x1250x128xf32> to vector<1250x128xf32>
    %get3A_7 = arith.constant 0 : index
    %get3A_8 = arith.constant 0 : index
    %get3A_9 = arith.constant 0 : index
    %get3A_10 = vector.load %arg2[%get3A_7, %get3A_8, %get3A_9] : memref<1x1250x128xf32, #tpu.memory_space<vmem>>, vector<1x1250x128xf32>
    %get3A_11 = vector.shape_cast %get3A_10 : vector<1x1250x128xf32> to vector<1250x128xf32>
    %add3A = arith.addf %get3A_6, %get3A_11 : vector<1250x128xf32>
    %get3A_12 = arith.constant 0 : index
    %get3A_13 = arith.constant 0 : index
    %get3A_14 = vector.load %arg3[%get3A_12, %get3A_13] : memref<1250x128xf32, #tpu.memory_space<vmem>>, vector<1250x128xf32>
    %add3A_15 = arith.addf %add3A, %get3A_14 : vector<1250x128xf32>
    %mul3A = arith.mulf %get3A_1, %add3A_15 : vector<1250x128xf32>
    %get3A_16 = arith.constant 0 : index
    %get3A_17 = arith.constant 0 : index
    %get3A_18 = vector.load %arg5[%get3A_16, %get3A_17] : memref<1x128xf32, #tpu.memory_space<vmem>>, vector<1x128xf32>
    %add3A_19 = vector.broadcast %get3A_18 : vector<1x128xf32> to vector<1250x128xf32>
    %add3A_20 = arith.addf %mul3A, %add3A_19 : vector<1250x128xf32>
    %swap3A = arith.constant 0 : index
    %swap3A_21 = arith.constant 0 : index
    %swap3A_22 = vector.load %arg6[%swap3A, %swap3A_21] : memref<1250x128xf32, #tpu.memory_space<vmem>>, vector<1250x128xf32>
    tpu.vector_store %arg6[%swap3A, %swap3A_21], %add3A_20 {strides = array<i32>} : memref<1250x128xf32, #tpu.memory_space<vmem>>, vector<1250x128xf32>,
    return
  }
  func.func @transform_0(%arg0: i32) -> (i32, i32, i32) {
    %c0_i32 = arith.constant 0 : i32
    %c0_i32_0 = arith.constant 0 : i32
    %c0_i32_1 = arith.constant 0 : i32
    %c0_i32_2 = arith.constant 0 : i32
    return %c0_i32, %c0_i32_0, %c0_i32_1 : i32, i32, i32
  }
  func.func @transform_1(%arg0: i32) -> (i32, i32, i32) {
    %c1_i32 = arith.constant 1 : i32
    %c0_i32 = arith.constant 0 : i32
    %c0_i32_0 = arith.constant 0 : i32
    %c0_i32_1 = arith.constant 0 : i32
    return %c1_i32, %c0_i32, %c0_i32_0 : i32, i32, i32
  }
  func.func @transform_2(%arg0: i32) -> (i32, i32) {
    %c0_i32 = arith.constant 0 : i32
    %c0_i32_0 = arith.constant 0 : i32
    %c0_i32_1 = arith.constant 0 : i32
    return %c0_i32, %c0_i32_0 : i32, i32
  }
  func.func @transform_3(%arg0: i32) -> (i32, i32) {
    %c0_i32 = arith.constant 0 : i32
    %c0_i32_0 = arith.constant 0 : i32
    %c0_i32_1 = arith.constant 0 : i32
    return %c0_i32, %c0_i32_0 : i32, i32
  }
  func.func @transform_4(%arg0: i32) -> (i32, i32) {
    %c0_i32 = arith.constant 0 : i32
    %c0_i32_0 = arith.constant 0 : i32
    %c0_i32_1 = arith.constant 0 : i32
    return %c0_i32, %c0_i32_0 : i32, i32
  }
  func.func @transform_5(%arg0: i32) -> (i32, i32) {
    %c0_i32 = arith.constant 0 : i32
    %c0_i32_0 = arith.constant 0 : i32
    %c0_i32_1 = arith.constant 0 : i32
    return %c0_i32, %c0_i32_0 : i32, i32
  }
}

</mosaic_0001>

<sc_bundles>
// kernel: kernel.11.cloned.1.call-start
scs
__scs_entry_jumppad:
0x0: {  	(pc) =	sbr.rel $0x88, $3  }
0x1: {  	(tag) =	ssettag $0x0;
	lr =	simm.s32 $0x1  }
0x2: {  	[smem:$0x3F9B] =	sst lr;
	_ =	strace $0xD0000000  }
0x3: {  	_ = 	snop  }
0x4: {  	_ = 	snop  }
0x5: {  	_ = 	snop  }
0x6: {  	_ = 	snop  }
0x7: {  	_ = 	snop  }
__scs_overlays_trampoline_lowered:
0x8: {  	[smem:$0x3FAA] =	sst s0  }
0x9: {  	[smem:$0x3FAB] =	sst s1  }
0xa: {  	[smem:$0x3FAC] =	sst s2  }
0xb: {  	[smem:$0x3FAD] =	sst s3  }
0xc: {  	[smem:$0x3FAE] =	sst s4  }
0xd: {  	[smem:$0x3FAF] =	sst s5  }
0xe: {  	[smem:$0x3FB0] =	sst s6  }
0xf: {  	[smem:$0x3FB1] =	sst s7  }
0x10: {  	[smem:$0x3FB2] =	sst s8  }
0x11: {  	[smem:$0x3FB3] =	sst s9;
	s0 =	simm.s32 @!p0 $0x0  }
0x12: {  	s1 =	sld [smem:$0x3F99];
	s0 =	simm.s32 @p0 $0x1  }
0x13: {  	[smem:$0x3FB4] =	sst s0;
	s0 =	simm.s32 @!p1 $0x0  }
0x14: {  	s2 =	sld [smem:$0x3F98];
	s0 =	simm.s32 @p1 $0x1  }
0x15: {  	[smem:$0x3FB5] =	sst s0;
	s0 =	simm.s32 @!p2 $0x0  }
0x16: {  	s3 =	sld [smem:$0x3FDB];
	s0 =	simm.s32 @p2 $0x1  }
0x17: {  	s4 =	simm.s32 $0x1BF5;
	[smem:$0x3FB7] =	sst s0  }
0x18: {  	s0 =	sld [smem:$0x3F9A];
	_ =	swait.ge [sflag:s4], $0x0  }
0x19: {  	s7 =	sld [smem:$0x3F9B]  }
0x1a: {  	s8 =	sadd.s32 $0xFFFFE003, lr  }
0x1b: {  	s9 =	sadd.s32 $0xFFFFFEF7, lr;
	s5 =	simm.s32 $0xFFFFFFFF;
	p2 =	slt.u32 s8, $0xFFFFF086  }
0x1c: {  	p1 =	slt.u32 s9, $0xF7A;
	s5 =	simm.s32 @!p2 $0x0  }
0x1d: {  	s5 =	simm.s32 @p1 $0x1;
	p0 =	seq.s32 s7, s2  }
0x1e: {  	s7 =	smul.u32 @!p0 $0xF7A, s2;
	p2 =	seq.s32 @!p0 s5, $0x0  }
0x1f: {  	s9 =	smul.u32 $0xF7A, s1;
	s8 =	simm.s32 @!p0 $0x1BF5;
	p2 =	por !p2, p0  }
0x20: {  	[sflag:s8] =	ssyncset.s32 @!p0 $0xFFFFF086;
	s6 =	sadd.s32 @!p0 s3, s7;
	s7 =	simm.s32 @!p0 $0x108  }
0x21: {  	s3 =	sadd.s32 s3, s9;
	s6 =	sadd.s32 @!p0 $0x88, s6;
	s7 =	simm.s32 @p2 $0x1082  }
0x22: {  	[simem:s7], [sflag:s8] =	dma.local @!p0 [hbm:s6], $0xF7A  }
0x23: {  	s9 =	sor.u32 $0xD0000000, s2;
	s6 =	simm.s32 $0x108;
	_ =	swait.ge @!p0 [sflag:s8], $0x0  }
0x24: {  	s3 =	sadd.s32 $0x88, s3;
	s6 =	simm.s32 @!p1 $0x1082;
	[sflag:s4] =	ssyncset.s32 $0xFFFFF086  }
0x25: {  	[simem:s6], [sflag:s4] =	dma.local [hbm:s3], $0xF7A  }
0x26: {  	[smem:$0x3F9B] =	sst s1;
	(tag) =	ssettag s2;
	_ =	strace s9  }
0x27: {  	s1 =	sld [smem:$0x3FAB]  }
0x28: {  	s2 =	sld [smem:$0x3FAC]  }
0x29: {  	s4 =	sld [smem:$0x3FAE]  }
0x2a: {  	p0 =	seq.s32 s5, $0x0;
	s5 =	sld [smem:$0x3FAF]  }
0x2b: {  	s6 =	sld [smem:$0x3FB0]  }
0x2c: {  	s7 =	sld [smem:$0x3FB1]  }
0x2d: {  	s3 =	simm.s32 $0x108;
	s8 =	sld [smem:$0x3FB2]  }
0x2e: {  	s3 =	simm.s32 @!p0 $0x1082;
	s9 =	sld [smem:$0x3FB3]  }
0x2f: {  	lr =	sadd.s32 s0, s3;
	s0 =	sld [smem:$0x3FAA]  }
0x30: {  	s3 =	sld [smem:$0x3FAD]  }
0x31: {  	[smem:$0x3FB6] =	sst s10  }
0x32: {  	s10 =	sld [smem:$0x3FB4];
	_ =	sdelay $0x3  }
0x33: {  	p0 =	seq.s32 s10, $0x1;
	s10 =	sld [smem:$0x3FB6];
	_ =	sdelay $0x3  }
0x34: {  	[smem:$0x3FB6] =	sst s10  }
0x35: {  	s10 =	sld [smem:$0x3FB5];
	_ =	sdelay $0x3  }
0x36: {  	p1 =	seq.s32 s10, $0x1;
	s10 =	sld [smem:$0x3FB6];
	_ =	sdelay $0x3  }
0x37: {  	[smem:$0x3FB6] =	sst s10  }
0x38: {  	s10 =	sld [smem:$0x3FB7]  }
0x39: {  	_ = 	snop;
	(pc) =	sbr.ind lr, $3  }
0x3a: {  	_ = 	snop  }
0x3b: {  	_ = 	snop  }
0x3c: {  	p2 =	seq.s32 s10, $0x1;
	s10 =	sld [smem:$0x3FB6]  }
0x3d: {  	_ =	shalt  }
0x3e: {  	_ =	shalt  }
0x3f: {  	_ =	shalt  }
0x40: {  	_ =	shalt  }
0x41: {  	_ =	shalt  }
0x42: {  	_ =	shalt  }
0x43: {  	_ =	shalt  }
0x44: {  	_ =	shalt  }
0x45: {  	_ =	shalt  }
0x46: {  	_ =	shalt  }
0x47: {  	_ =	shalt  }
0x48: {  	_ =	shalt  }
0x49: {  	_ =	shalt  }
0x4a: {  	_ =	shalt  }
0x4b: {  	_ =	shalt  }
0x4c: {  	_ =	shalt  }
0x4d: {  	_ =	shalt  }
0x4e: {  	_ =	shalt  }
0x4f: {  	_ =	shalt  }
0x50: {  	_ =	shalt  }
0x51: {  	_ =	shalt  }
0x52: {  	_ =	shalt  }
0x53: {  	_ =	shalt  }
0x54: {  	_ =	shalt  }
0x55: {  	_ =	shalt  }
0x56: {  	_ =	shalt  }
0x57: {  	_ =	shalt  }
0x58: {  	_ =	shalt  }
0x59: {  	_ =	shalt  }
0x5a: {  	_ =	shalt  }
0x5b: {  	_ =	shalt  }
0x5c: {  	_ =	shalt  }
0x5d: {  	_ =	shalt  }
0x5e: {  	_ =	shalt  }
0x5f: {  	_ =	shalt  }
0x60: {  	_ =	shalt  }
0x61: {  	_ =	shalt  }
0x62: {  	_ =	shalt  }
0x63: {  	_ =	shalt  }
0x64: {  	_ =	shalt  }
0x65: {  	_ =	shalt  }
0x66: {  	_ =	shalt  }
0x67: {  	_ =	shalt  }
0x68: {  	_ =	shalt  }
0x69: {  	_ =	shalt  }
0x6a: {  	_ =	shalt  }
0x6b: {  	_ =	shalt  }
0x6c: {  	_ =	shalt  }
0x6d: {  	_ =	shalt  }
0x6e: {  	_ =	shalt  }
0x6f: {  	_ =	shalt  }
0x70: {  	_ =	shalt  }
0x71: {  	_ =	shalt  }
0x72: {  	_ =	shalt  }
0x73: {  	_ =	shalt  }
0x74: {  	_ =	shalt  }
0x75: {  	_ =	shalt  }
0x76: {  	_ =	shalt  }
0x77: {  	_ =	shalt  }
0x78: {  	_ =	shalt  }
0x79: {  	_ =	shalt  }
0x7a: {  	_ =	shalt  }
0x7b: {  	_ =	shalt  }
0x7c: {  	_ =	shalt  }
0x7d: {  	_ =	shalt  }
0x7e: {  	_ =	shalt  }
0x7f: {  	_ =	shalt  }
0x80: {  	_ =	shalt  }
0x81: {  	_ =	shalt  }
0x82: {  	_ =	shalt  }
0x83: {  	_ =	shalt  }
0x84: {  	_ =	shalt  }
0x85: {  	_ =	shalt  }
0x86: {  	_ =	shalt  }
0x87: {  	_ =	shalt  }
.Lfunc_end0:
.L_simem_size_0:
called_computation.1_lowered:
.L_overlay_start_0:
0x88: {  	s2 =	sld [smem:$0x3FD9]  }
0x89: {  	s3 =	sld [smem:$0x3FFE];
	_ =	sdelay $0x1  }
0x8a: {  	s1 =	srdreg.scid  }
0x8b: {  	s0 =	sand.u32 $0x1, s1  }
0x8c: {  	s17 =	sshll.u32 s0, $0xA;
	s2 =	sadd.s32 s3, s2  }
0x8d: {  	s2 =	sadd.s32 s2, s17  }
0x8e: {  	[smem:$0x3FC2] =	sst s2  }
0x8f: {  	_ = 	snop  }
0x90: {  	s2 =	sld [smem:$0x3FD0];
	(tm) =	ssettm $0x1  }
0x91: {  	s18 =	sld [smem:$0x3FFB];
	_ =	sdelay $0x3  }
0x92: {  	_ =	strace s18  }
0x93: {  	s3 =	sld [smem:$0x3FFC];
	_ =	sdelay $0x3  }
0x94: {  	_ =	strace s3  }
0x95: {  	s3 =	sld [smem:$0x3FFD];
	_ =	sdelay $0x3  }
0x96: {  	_ =	strace s3  }
0x97: {  	_ =	strace $0x8FFFFFFF  }
0x98: {  	s19 =	sld [smem:$0x3FDB];
	_ =	sdelay $0x1  }
0x99: {  	s4 =	simm.s32 $_scs_section_size  }
0x9a: {  	s5 =	simm.s32 $_size__tile_overlayer_lowered;
	s6 =	simm.s32 $_tile_overlayer_lowered  }
0x9b: {  	s22 =	simm.s32 $0x1BFF;
	s21 =	sshll.u32 s6, $0x1;
	s3 =	sadd.s32 s4, s19  }
0x9c: {  	s7 =	simm.s32 $0x0;
	s20 =	sshll.u32 s5, $0x1;
	s5 =	sadd.s32 s21, s3  }
0x9d: {  	[timem:s7], [sflag:s22] =	dma.local [hbm:s5], s20  }
0x9e: {  	_ =	swait.ge [sflag:s22], s20  }
0x9f: {  	s4 =	ssub.s32 $0x0, s20;
	[sflag:s22] =	ssyncset.done $0x0  }
0xa0: {  	[sflag:s22] =	ssyncadd.s32 s4;
	_ =	sdelay $0x1  }
0xa1: {  	s23 =	simm.s32 $0x1B8B  }
0xa2: {  	_ =	swait.ge [sflag:s23], $0x1  }
0xa3: {  	[sflag:s23] =	ssyncset.done $0x0  }
0xa4: {  	s25 =	simm.s32 $0x1B8E;
	s24 =	sld [smem:$0x3FFE];
	[sflag:s23] =	ssyncadd.s32 $0xFFFFFFFF  }
0xa5: {  	s26 =	simm.s32 $execute0_lowered;
	[smem:$0x3FD2] =	sst s25  }
0xa6: {  	s5 =	sshll.u32 s26, $0x1;
	_ =	strace $0x80000049;
	[dreg:$0x1] =	wrdreg $0xFFFFFFFF  }
0xa7: {  	s28 =	simm.s32 $_size_execute0_lowered;
	s3 =	sadd.s32 s3, s5;
	[dreg:$0x0] =	wrdreg $0x0  }
0xa8: {  	s5 =	sshll.u32 s28, $0x1;
	[dreg:$0x2] =	wrdreg s3  }
0xa9: {  	[dreg:$0x3] =	wrdreg s5  }
0xaa: {  	[dreg:$0x4] =	wrdreg $0xC0  }
0xab: {  	_ =	task [dreg:s7], $0x5FFFF  }
0xac: {  	[dreg:$0x1] =	wrdreg $0xFFFFFFFF  }
0xad: {  	[dreg:$0x0] =	wrdreg $0x60  }
0xae: {  	[dreg:$0x2] =	wrdreg s24  }
0xaf: {  	[dreg:$0x3] =	wrdreg s2  }
0xb0: {  	[dreg:$0x4] =	wrdreg $0x178900  }
0xb1: {  	[dreg:$0x5] =	wrdreg $0x9  }
0xb2: {  	_ =	task.clear_ibuf [dreg:s7], $0x6FFFF;
	_ =	strace $0x90000049  }
0xb3: {  	s29 =	simm.s32 $0x9;
	_ =	strace $0x8000004B  }
0xb4: {  	_ =	swait.ge [sflag:s29], $0x1  }
0xb5: {  	[sflag:s29] =	ssyncadd.s32 $0xFFFFFFFF  }
0xb6: {  	_ =	strace $0x9000004B  }
0xb7: {  	_ =	sfence  }
0xb8: {  	s30 =	sld [smem:$0x0];
	_ =	sdelay $0x2  }
0xb9: {  	s31 =	sshll.u32 s1, $0xD;
	s1 =	sshrl.u32 s1, $0x2  }
0xba: {  	s3 =	sand.u32 $0x4000, s31;
	s1 =	sadd.s32 s1, s30  }
0xbb: {  	s0 =	sor.u32 s3, s0;
	s1 =	sshll.u32 s1, $0x11  }
0xbc: {  	s0 =	sor.u32 s1, s0  }
0xbd: {  	s0 =	sadd.s32 $0x8F2B, s0  }
0xbe: {  	[sflag:s0] =	ssyncadd.remote.s32 $0x1  }
0xbf: {  	_ =	sfence.sel $0xFFFF  }
0xc0: {  	[dreg:$0x0] =	wrdreg $0xFFFFFFFF;
	(pc) =	sbr.abs _section_cstart, $3  }
0xc1: {  	[dreg:$0x1] =	wrdreg $0xFFFFFFFF  }
0xc2: {  	_ =	task.clear_ibuf [dreg:s7], $0x2FFFF;
	_ =	strace $0x9FFFFFFF  }
0xc3: {  	(tm) =	ssettm $0x7FFFFFFF  }
tec
execute0_lowered:
.L_overlay_start_1:
0x0: {  	(tag) =	ssettag $0x1  }
0x1: {  	s5 =	rddreg [dreg:$0x0]  }
0x2: {  	s0 =	srdreg.scid;
	s6 =	rddreg [dreg:$0x1]  }
0x3: {  	s2 =	rddreg [dreg:$0x2];
	s1 =	stileid.u32  }
0x4: {  	s3 =	simm.s32 $0x0;
	s16 =	simm.s32 $0x2710;
	s17 =	simm.s32 $0x988  }
0x5: {  	s18 =	simm.s32 $0xC710;
	s19 =	simm.s32 $0x1;
	s20 =	simm.s32 $0x2  }
0x6: {  	s21 =	simm.s32 $0x1D88;
	s7 =	sand.u32 $0x1, s0;
	s0 =	rddreg [dreg:$0x3]  }
0x7: {  	s23 =	simm.s32 $0x0;
	[smem:$0x7FF] =	sst s3;
	s11 =	smul.u32 $0x1900, s1  }
0x8: {  	s12 =	sadd.s32 $0xB800, s5;
	s13 =	smul.u32 $0x6400, s1;
	p0 =	sgt.u32 s1, $0x8  }
0x9: {  	s4 =	sshll.u32 s7, $0x4;
	_ =	strace $0x8000004A;
	s10 =	ssub.s32 $0x2, s7  }
0xa: {  	s28 =	smul.u32 $0x27100, s7;
	s4 =	sor.u32 s1, s4;
	s26 =	sshrl.u32 s10, $0x1  }
0xb: {  	s7 =	sadd.s32 s11, s2;
	s15 =	sadd.s32 $0x19000, s11;
	s29 =	sshrl.u32 s13, $0x2  }
0xc: {  	s13 =	simm.s32 $0x1388;
	s8 =	smul.u32 $0x271, s4;
	s4 =	sadd.s32 $0x6800, s5  }
0xd: {  	s14 =	ssub.s32 s10, s26;
	s30 =	sadd.s32 s11, s28;
	s22 =	sadd.s32 s15, s2  }
0xe: {  	s10 =	sshrl.u32 s30, $0x3;
	s11 =	smax.u32 s14, $0x1;
	s14 =	simm.s32 $0x15F90  }
0xf: {  	s22 =	sshrl.u32 @!p0 s22, $0x3;
	s9 =	sadd.s32 s8, s5;
	s5 =	sadd.s32 s6, s8  }
0x10: {  	s8 =	sadd.s32 s28, s15;
	s6 =	sadd.s32 $0x1800, s9;
	s9 =	sadd.s32 s29, s2  }
0x11: {  	s15 =	simm.s32 $0xA00;
	s31 =	sshrl.u32 s8, $0x3;
	s8 =	sadd.s32 $0x19000, s9  }
0x12: {  	v0 =	vimm.f32 $0.0e+00;
	s9 =	sadd.s32 s12, s10;
	s10 =	sadd.s32 s12, s31;
	s12 =	simm.s32 $0x3  }
.LBB2_1:
0x13: {  	[tilespmem:s3], [sflag:$0x3] =	stream.linear.gather [hbm4b:s5+s3], $0x1388, $0x38;
	[tilespmem:$0x19FA0] =	vst v63  }
0x14: {  	_ =	swait.ge [sflag:s12], $0x1388  }
0x15: {  	[sflag:s12] =	ssyncset.done $0x0  }
0x16: {  	[sflag:s12] =	ssyncadd.s32 $0xFFFFEC78  }
0x17: {  	[tilespmem:s13], [sflag:$0x3] =	stream.linear.gather [hbm4b:s6+s3], $0x1388, $0x38;
	[tilespmem:$0x19FA0] =	vst v63  }
0x18: {  	_ =	swait.ge [sflag:s12], $0x1388  }
0x19: {  	[sflag:s12] =	ssyncset.done $0x0  }
0x1a: {  	s24 =	simm.s32 $0x0;
	s25 =	simm.s32 $0x200;
	[sflag:s12] =	ssyncadd.s32 $0xFFFFEC78  }
.LBB2_2:
0x1b: {  	p1 =	sne.s32 s25, $0x6200;
	[tilespmem:s24+$0x16000] =	vst v0  }
0x1c: {  	[tilespmem:s24+$0x15F90] =	vst v0  }
0x1d: {  	[tilespmem:s24+$0x15FA0] =	vst v0  }
.Ltmp0:
0x1e: {  	[tilespmem:s24+$0x15FB0] =	vst v0;
	(pc) =	sbr.rel @p1 .LBB2_2-.Ltmp0, $4  }
0x1f: {  	[tilespmem:s24+$0x15FC0] =	vst v0  }
0x20: {  	[tilespmem:s24+$0x15FD0] =	vst v0  }
0x21: {  	[tilespmem:s24+$0x15FE0] =	vst v0  }
0x22: {  	[tilespmem:s24+$0x15FF0] =	vst v0;
	s24 =	sshra.s32 s25, $0x2;
	s25 =	sadd.s32 $0x200, s25  }
0x23: {  	[tilespmem:s24+$0x16000] =	vst v0  }
0x24: {  	[tilespmem:s24+$0x15F90] =	vst v0  }
0x25: {  	[tilespmem:s24+$0x15FA0] =	vst v0  }
0x26: {  	[tilespmem:s24+$0x15FB0] =	vst v0  }
0x27: {  	[tilespmem:s24+$0x15FC0] =	vst v0  }
0x28: {  	[tilespmem:s24+$0x15FD0] =	vst v0  }
0x29: {  	[tilespmem:s24+$0x15FE0] =	vst v0  }
0x2a: {  	[tilespmem:s24+$0x15FF0] =	vst v0  }
0x2b: {  	[spmem:s7] =	stream.linear.scatter [tilespmem:s14], [sflag:$0x3], $0x1900, $0x38;
	[tilespmem:$0x19FA0] =	vst v63  }
0x2c: {  	_ =	swait.ge [sflag:s12], $0x1900  }
0x2d: {  	[sflag:s12] =	ssyncset.done $0x0  }
0x2e: {  	s24 =	simm.s32 @!p0 $0x15F90;
	[sflag:s12] =	ssyncadd.s32 $0xFFFFE700  }
0x2f: {  	[spmem:s8] =	stream.linear.scatter @!p0 [tilespmem:s24], [sflag:$0x3], $0x1900, $0x38;
	[tilespmem:$0x19FA0] =	vst v63  }
0x30: {  	s24 =	simm.s32 @!p0 $0x3  }
0x31: {  	_ =	swait.ge @!p0 [sflag:s24], $0x1900  }
0x32: {  	[sflag:s24] =	ssyncset.done @!p0 $0x0  }
0x33: {  	[sflag:s24] =	ssyncadd.s32 @!p0 $0xFFFFE700  }
0x34: {  	[bflag:$0x0] =	sbarrier.arrive $0xFFFF  }
0x35: {  	[tilespmem:s16], [sflag:$0x1] =	stream.indirect.gather [hbm4b:s4+s15], $0x10, s3, s15, $0xb8;
	[tilespmem:$0x19FA0] =	vst v63  }
0x36: {  	_ = 	snop  }
0x37: {  	[tilespmem:s18], [sflag:$0x2] =	stream.indirect.gather [hbm4b:s4+s17], $0x10, s15, s17, $0xb8;
	[tilespmem:$0x19FA0] =	vst v63  }
0x38: {  	_ =	swait.ge [sflag:s19], $0xA000  }
0x39: {  	[sflag:s19] =	ssyncset.done $0x0  }
0x3a: {  	[sflag:s19] =	ssyncadd.s32 $0xFFFF6000  }
0x3b: {  	[spmem:s2] =	stream.indirect.scatter.add.f32 [tilespmem:s16], [sflag:$0x3], $0x10, s13, s15, $0xb8;
	[tilespmem:$0x19FA0] =	vst v63  }
0x3c: {  	_ =	swait.ge [sflag:s12], $0xA000  }
0x3d: {  	[sflag:s12] =	ssyncset.done $0x0  }
0x3e: {  	[sflag:s12] =	ssyncadd.s32 $0xFFFF6000  }
0x3f: {  	_ =	swait.ge [sflag:s20], $0x9880  }
0x40: {  	[sflag:s20] =	ssyncset.done $0x0  }
0x41: {  	[sflag:s20] =	ssyncadd.s32 $0xFFFF6780  }
0x42: {  	[spmem:s2] =	stream.indirect.scatter.add.f32 [tilespmem:s18], [sflag:$0x3], $0x10, s21, s17, $0xb8;
	[tilespmem:$0x19FA0] =	vst v63  }
0x43: {  	_ =	swait.ge [sflag:s12], $0x9880  }
0x44: {  	[sflag:s12] =	ssyncset.done $0x0  }
0x45: {  	s25 =	sshll.u32 s1, $0x6;
	[sflag:s12] =	ssyncadd.s32 $0xFFFF6780  }
0x46: {  	s26 =	sshrl.u32 s7, $0x3;
	s25 =	sor.u32 $0x1C03, s25;
	[bflag:$0x0] =	sbarrier.arrive $0xFFFF  }
0x47: {  	[hbm:s9], [sflag:s25] =	dma.local [spmem:s26], $0x320  }
0x48: {  	s23 =	sadd.s32 $0x1, s23;
	_ =	swait.ge [sflag:s12], $0x320  }
0x49: {  	p1 =	sne.s32 s23, s11;
	[sflag:s12] =	ssyncset.done $0x0  }
.Ltmp1:
0x4a: {  	[sflag:s12] =	ssyncadd.s32 $0xFFFFFCE0;
	(pc) =	sbr.rel @p1 .LBB2_1-.Ltmp1, $4  }
0x4b: {  	[hbm:s10], [sflag:s25] =	dma.local @!p0 [spmem:s22], $0x320  }
0x4c: {  	_ =	swait.ge @!p0 [sflag:s24], $0x320  }
0x4d: {  	[sflag:s24] =	ssyncset.done @!p0 $0x0  }
0x4e: {  	[sflag:s24] =	ssyncadd.s32 @!p0 $0xFFFFFCE0  }
0x4f: {  	_ =	sfence.sel $0x180000  }
0x50: {  	[bflag:$0x0] =	sbarrier.arrive $0xFFFF  }
0x51: {  	p0 =	sne.s32 s1, $0x0;
	_ =	strace $0x9000004A  }
0x52: {  	s0 =	sadd.s32 @!p0 $0x100000, s0;
	[bflag:$0x2] =	sbarrier.arrive $0xFFFF  }
0x53: {  	[sflag:s0] =	ssyncadd.tile.s32 @!p0 $0x1;
	_ =	shalt  }
.Lfunc_end2:
_tile_overlayer_lowered:
.L_overlay_start_2:
0x54: {  	(tag) =	ssettag $0x2  }
0x55: {  	s0 =	rddreg [dreg:$0x0];
	s2 =	stileid.u32  }
0x56: {  	s1 =	rddreg [dreg:$0x1];
	p0 =	sne.s32 s2, $0x0  }
0x57: {  	s3 =	rddreg [dreg:$0x2];
	[bflag:$0x3] =	sbarrier.arrive $0xFFFF;
	s2 =	simm.s32 @!p0 $0x1C03  }
0x58: {  	[timem:s3], [sflag:s2] =	dma.local @!p0 [hbm:s0], s1  }
0x59: {  	s0 =	simm.s32 @!p0 $0x3  }
0x5a: {  	_ =	swait.ge @!p0 [sflag:s0], s1  }
0x5b: {  	s1 =	ssub.s32 @!p0 $0x0, s1;
	[sflag:s0] =	ssyncset.done @!p0 $0x0  }
0x5c: {  	[sflag:s0] =	ssyncadd.s32 @!p0 s1  }
0x5d: {  	[bflag:$0x3] =	sbarrier.arrive $0xFFFF  }
0x5e: {  	_ =	shalt  }

// kernel: kernel.14.cloned.1.call-start
scs
__scs_entry_jumppad:
0x0: {  	(pc) =	sbr.rel $0x88, $3  }
0x1: {  	(tag) =	ssettag $0x0;
	lr =	simm.s32 $0x1  }
0x2: {  	[smem:$0x3F9B] =	sst lr;
	_ =	strace $0xD0000000  }
0x3: {  	_ = 	snop  }
0x4: {  	_ = 	snop  }
0x5: {  	_ = 	snop  }
0x6: {  	_ = 	snop  }
0x7: {  	_ = 	snop  }
__scs_overlays_trampoline_lowered:
0x8: {  	[smem:$0x3FAA] =	sst s0  }
0x9: {  	[smem:$0x3FAB] =	sst s1  }
0xa: {  	[smem:$0x3FAC] =	sst s2  }
0xb: {  	[smem:$0x3FAD] =	sst s3  }
0xc: {  	[smem:$0x3FAE] =	sst s4  }
0xd: {  	[smem:$0x3FAF] =	sst s5  }
0xe: {  	[smem:$0x3FB0] =	sst s6  }
0xf: {  	[smem:$0x3FB1] =	sst s7  }
0x10: {  	[smem:$0x3FB2] =	sst s8  }
0x11: {  	[smem:$0x3FB3] =	sst s9;
	s0 =	simm.s32 @!p0 $0x0  }
0x12: {  	s1 =	sld [smem:$0x3F99];
	s0 =	simm.s32 @p0 $0x1  }
0x13: {  	[smem:$0x3FB4] =	sst s0;
	s0 =	simm.s32 @!p1 $0x0  }
0x14: {  	s2 =	sld [smem:$0x3F98];
	s0 =	simm.s32 @p1 $0x1  }
0x15: {  	[smem:$0x3FB5] =	sst s0;
	s0 =	simm.s32 @!p2 $0x0  }
0x16: {  	s3 =	sld [smem:$0x3FDB];
	s0 =	simm.s32 @p2 $0x1  }
0x17: {  	s4 =	simm.s32 $0x1BF5;
	[smem:$0x3FB7] =	sst s0  }
0x18: {  	s0 =	sld [smem:$0x3F9A];
	_ =	swait.ge [sflag:s4], $0x0  }
0x19: {  	s7 =	sld [smem:$0x3F9B]  }
0x1a: {  	s8 =	sadd.s32 $0xFFFFE003, lr  }
0x1b: {  	s9 =	sadd.s32 $0xFFFFFEF7, lr;
	s5 =	simm.s32 $0xFFFFFFFF;
	p2 =	slt.u32 s8, $0xFFFFF086  }
0x1c: {  	p1 =	slt.u32 s9, $0xF7A;
	s5 =	simm.s32 @!p2 $0x0  }
0x1d: {  	s5 =	simm.s32 @p1 $0x1;
	p0 =	seq.s32 s7, s2  }
0x1e: {  	s7 =	smul.u32 @!p0 $0xF7A, s2;
	p2 =	seq.s32 @!p0 s5, $0x0  }
0x1f: {  	s9 =	smul.u32 $0xF7A, s1;
	s8 =	simm.s32 @!p0 $0x1BF5;
	p2 =	por !p2, p0  }
0x20: {  	[sflag:s8] =	ssyncset.s32 @!p0 $0xFFFFF086;
	s6 =	sadd.s32 @!p0 s3, s7;
	s7 =	simm.s32 @!p0 $0x108  }
0x21: {  	s3 =	sadd.s32 s3, s9;
	s6 =	sadd.s32 @!p0 $0x88, s6;
	s7 =	simm.s32 @p2 $0x1082  }
0x22: {  	[simem:s7], [sflag:s8] =	dma.local @!p0 [hbm:s6], $0xF7A  }
0x23: {  	s9 =	sor.u32 $0xD0000000, s2;
	s6 =	simm.s32 $0x108;
	_ =	swait.ge @!p0 [sflag:s8], $0x0  }
0x24: {  	s3 =	sadd.s32 $0x88, s3;
	s6 =	simm.s32 @!p1 $0x1082;
	[sflag:s4] =	ssyncset.s32 $0xFFFFF086  }
0x25: {  	[simem:s6], [sflag:s4] =	dma.local [hbm:s3], $0xF7A  }
0x26: {  	[smem:$0x3F9B] =	sst s1;
	(tag) =	ssettag s2;
	_ =	strace s9  }
0x27: {  	s1 =	sld [smem:$0x3FAB]  }
0x28: {  	s2 =	sld [smem:$0x3FAC]  }
0x29: {  	s4 =	sld [smem:$0x3FAE]  }
0x2a: {  	p0 =	seq.s32 s5, $0x0;
	s5 =	sld [smem:$0x3FAF]  }
0x2b: {  	s6 =	sld [smem:$0x3FB0]  }
0x2c: {  	s7 =	sld [smem:$0x3FB1]  }
0x2d: {  	s3 =	simm.s32 $0x108;
	s8 =	sld [smem:$0x3FB2]  }
0x2e: {  	s3 =	simm.s32 @!p0 $0x1082;
	s9 =	sld [smem:$0x3FB3]  }
0x2f: {  	lr =	sadd.s32 s0, s3;
	s0 =	sld [smem:$0x3FAA]  }
0x30: {  	s3 =	sld [smem:$0x3FAD]  }
0x31: {  	[smem:$0x3FB6] =	sst s10  }
0x32: {  	s10 =	sld [smem:$0x3FB4];
	_ =	sdelay $0x3  }
0x33: {  	p0 =	seq.s32 s10, $0x1;
	s10 =	sld [smem:$0x3FB6];
	_ =	sdelay $0x3  }
0x34: {  	[smem:$0x3FB6] =	sst s10  }
0x35: {  	s10 =	sld [smem:$0x3FB5];
	_ =	sdelay $0x3  }
0x36: {  	p1 =	seq.s32 s10, $0x1;
	s10 =	sld [smem:$0x3FB6];
	_ =	sdelay $0x3  }
0x37: {  	[smem:$0x3FB6] =	sst s10  }
0x38: {  	s10 =	sld [smem:$0x3FB7]  }
0x39: {  	_ = 	snop;
	(pc) =	sbr.ind lr, $3  }
0x3a: {  	_ = 	snop  }
0x3b: {  	_ = 	snop  }
0x3c: {  	p2 =	seq.s32 s10, $0x1;
	s10 =	sld [smem:$0x3FB6]  }
0x3d: {  	_ =	shalt  }
0x3e: {  	_ =	shalt  }
0x3f: {  	_ =	shalt  }
0x40: {  	_ =	shalt  }
0x41: {  	_ =	shalt  }
0x42: {  	_ =	shalt  }
0x43: {  	_ =	shalt  }
0x44: {  	_ =	shalt  }
0x45: {  	_ =	shalt  }
0x46: {  	_ =	shalt  }
0x47: {  	_ =	shalt  }
0x48: {  	_ =	shalt  }
0x49: {  	_ =	shalt  }
0x4a: {  	_ =	shalt  }
0x4b: {  	_ =	shalt  }
0x4c: {  	_ =	shalt  }
0x4d: {  	_ =	shalt  }
0x4e: {  	_ =	shalt  }
0x4f: {  	_ =	shalt  }
0x50: {  	_ =	shalt  }
0x51: {  	_ =	shalt  }
0x52: {  	_ =	shalt  }
0x53: {  	_ =	shalt  }
0x54: {  	_ =	shalt  }
0x55: {  	_ =	shalt  }
0x56: {  	_ =	shalt  }
0x57: {  	_ =	shalt  }
0x58: {  	_ =	shalt  }
0x59: {  	_ =	shalt  }
0x5a: {  	_ =	shalt  }
0x5b: {  	_ =	shalt  }
0x5c: {  	_ =	shalt  }
0x5d: {  	_ =	shalt  }
0x5e: {  	_ =	shalt  }
0x5f: {  	_ =	shalt  }
0x60: {  	_ =	shalt  }
0x61: {  	_ =	shalt  }
0x62: {  	_ =	shalt  }
0x63: {  	_ =	shalt  }
0x64: {  	_ =	shalt  }
0x65: {  	_ =	shalt  }
0x66: {  	_ =	shalt  }
0x67: {  	_ =	shalt  }
0x68: {  	_ =	shalt  }
0x69: {  	_ =	shalt  }
0x6a: {  	_ =	shalt  }
0x6b: {  	_ =	shalt  }
0x6c: {  	_ =	shalt  }
0x6d: {  	_ =	shalt  }
0x6e: {  	_ =	shalt  }
0x6f: {  	_ =	shalt  }
0x70: {  	_ =	shalt  }
0x71: {  	_ =	shalt  }
0x72: {  	_ =	shalt  }
0x73: {  	_ =	shalt  }
0x74: {  	_ =	shalt  }
0x75: {  	_ =	shalt  }
0x76: {  	_ =	shalt  }
0x77: {  	_ =	shalt  }
0x78: {  	_ =	shalt  }
0x79: {  	_ =	shalt  }
0x7a: {  	_ =	shalt  }
0x7b: {  	_ =	shalt  }
0x7c: {  	_ =	shalt  }
0x7d: {  	_ =	shalt  }
0x7e: {  	_ =	shalt  }
0x7f: {  	_ =	shalt  }
0x80: {  	_ =	shalt  }
0x81: {  	_ =	shalt  }
0x82: {  	_ =	shalt  }
0x83: {  	_ =	shalt  }
0x84: {  	_ =	shalt  }
0x85: {  	_ =	shalt  }
0x86: {  	_ =	shalt  }
0x87: {  	_ =	shalt  }
.Lfunc_end0:
.L_simem_size_0:
called_computation.2_lowered:
.L_overlay_start_0:
0x88: {  	s2 =	sld [smem:$0x3FD9]  }
0x89: {  	s3 =	sld [smem:$0x3FFE];
	_ =	sdelay $0x1  }
0x8a: {  	s1 =	srdreg.scid  }
0x8b: {  	s0 =	sand.u32 $0x1, s1  }
0x8c: {  	s17 =	sshll.u32 s0, $0xA;
	s2 =	sadd.s32 s3, s2  }
0x8d: {  	s2 =	sadd.s32 s2, s17  }
0x8e: {  	[smem:$0x3FC2] =	sst s2  }
0x8f: {  	_ = 	snop  }
0x90: {  	s2 =	sld [smem:$0x3FD0];
	(tm) =	ssettm $0x1  }
0x91: {  	s18 =	sld [smem:$0x3FFB];
	_ =	sdelay $0x3  }
0x92: {  	_ =	strace s18  }
0x93: {  	s3 =	sld [smem:$0x3FFC];
	_ =	sdelay $0x3  }
0x94: {  	_ =	strace s3  }
0x95: {  	s3 =	sld [smem:$0x3FFD];
	_ =	sdelay $0x3  }
0x96: {  	_ =	strace s3  }
0x97: {  	_ =	strace $0x8FFFFFFF  }
0x98: {  	s19 =	sld [smem:$0x3FDB];
	_ =	sdelay $0x1  }
0x99: {  	s4 =	simm.s32 $_scs_section_size  }
0x9a: {  	s5 =	simm.s32 $_size__tile_overlayer_lowered;
	s6 =	simm.s32 $_tile_overlayer_lowered  }
0x9b: {  	s22 =	simm.s32 $0x1BFF;
	s21 =	sshll.u32 s6, $0x1;
	s3 =	sadd.s32 s4, s19  }
0x9c: {  	s7 =	simm.s32 $0x0;
	s20 =	sshll.u32 s5, $0x1;
	s5 =	sadd.s32 s21, s3  }
0x9d: {  	[timem:s7], [sflag:s22] =	dma.local [hbm:s5], s20  }
0x9e: {  	_ =	swait.ge [sflag:s22], s20  }
0x9f: {  	s4 =	ssub.s32 $0x0, s20;
	[sflag:s22] =	ssyncset.done $0x0  }
0xa0: {  	[sflag:s22] =	ssyncadd.s32 s4;
	_ =	sdelay $0x1  }
0xa1: {  	s23 =	simm.s32 $0x1B8B  }
0xa2: {  	_ =	swait.ge [sflag:s23], $0x1  }
0xa3: {  	[sflag:s23] =	ssyncset.done $0x0  }
0xa4: {  	s25 =	simm.s32 $0x1B8E;
	s24 =	sld [smem:$0x3FFE];
	[sflag:s23] =	ssyncadd.s32 $0xFFFFFFFF  }
0xa5: {  	s26 =	simm.s32 $execute0_lowered;
	[smem:$0x3FD2] =	sst s25  }
0xa6: {  	s5 =	sshll.u32 s26, $0x1;
	_ =	strace $0x8000004C;
	[dreg:$0x1] =	wrdreg $0xFFFFFFFF  }
0xa7: {  	s28 =	simm.s32 $_size_execute0_lowered;
	s3 =	sadd.s32 s3, s5;
	[dreg:$0x0] =	wrdreg $0x0  }
0xa8: {  	s5 =	sshll.u32 s28, $0x1;
	[dreg:$0x2] =	wrdreg s3  }
0xa9: {  	[dreg:$0x3] =	wrdreg s5  }
0xaa: {  	[dreg:$0x4] =	wrdreg $0xC0  }
0xab: {  	_ =	task [dreg:s7], $0x5FFFF  }
0xac: {  	[dreg:$0x1] =	wrdreg $0xFFFFFFFF  }
0xad: {  	[dreg:$0x0] =	wrdreg $0x60  }
0xae: {  	[dreg:$0x2] =	wrdreg s24  }
0xaf: {  	[dreg:$0x3] =	wrdreg s2  }
0xb0: {  	[dreg:$0x4] =	wrdreg $0x178900  }
0xb1: {  	[dreg:$0x5] =	wrdreg $0x9  }
0xb2: {  	_ =	task.clear_ibuf [dreg:s7], $0x6FFFF;
	_ =	strace $0x9000004C  }
0xb3: {  	s29 =	simm.s32 $0x9;
	_ =	strace $0x8000004E  }
0xb4: {  	_ =	swait.ge [sflag:s29], $0x1  }
0xb5: {  	[sflag:s29] =	ssyncadd.s32 $0xFFFFFFFF  }
0xb6: {  	_ =	strace $0x9000004E  }
0xb7: {  	_ =	sfence  }
0xb8: {  	s30 =	sld [smem:$0x0];
	_ =	sdelay $0x2  }
0xb9: {  	s31 =	sshll.u32 s1, $0xD;
	s1 =	sshrl.u32 s1, $0x2  }
0xba: {  	s3 =	sand.u32 $0x4000, s31;
	s1 =	sadd.s32 s1, s30  }
0xbb: {  	s0 =	sor.u32 s3, s0;
	s1 =	sshll.u32 s1, $0x11  }
0xbc: {  	s0 =	sor.u32 s1, s0  }
0xbd: {  	s0 =	sadd.s32 $0x8F2B, s0  }
0xbe: {  	[sflag:s0] =	ssyncadd.remote.s32 $0x1  }
0xbf: {  	_ =	sfence.sel $0xFFFF  }
0xc0: {  	[dreg:$0x0] =	wrdreg $0xFFFFFFFF;
	(pc) =	sbr.abs _section_cstart, $3  }
0xc1: {  	[dreg:$0x1] =	wrdreg $0xFFFFFFFF  }
0xc2: {  	_ =	task.clear_ibuf [dreg:s7], $0x2FFFF;
	_ =	strace $0x9FFFFFFF  }
0xc3: {  	(tm) =	ssettm $0x7FFFFFFF  }
tec
execute0_lowered:
.L_overlay_start_1:
0x0: {  	(tag) =	ssettag $0x1  }
0x1: {  	s5 =	rddreg [dreg:$0x0]  }
0x2: {  	s0 =	srdreg.scid;
	s6 =	rddreg [dreg:$0x1]  }
0x3: {  	s2 =	rddreg [dreg:$0x2];
	s1 =	stileid.u32  }
0x4: {  	s3 =	simm.s32 $0x0;
	s16 =	simm.s32 $0x2710;
	s17 =	simm.s32 $0x988  }
0x5: {  	s18 =	simm.s32 $0xC710;
	s19 =	simm.s32 $0x1;
	s20 =	simm.s32 $0x2  }
0x6: {  	s21 =	simm.s32 $0x1D88;
	s7 =	sand.u32 $0x1, s0;
	s0 =	rddreg [dreg:$0x3]  }
0x7: {  	s23 =	simm.s32 $0x0;
	[smem:$0x7FF] =	sst s3;
	s11 =	smul.u32 $0x1900, s1  }
0x8: {  	s12 =	sadd.s32 $0xB800, s5;
	s13 =	smul.u32 $0x6400, s1;
	p0 =	sgt.u32 s1, $0x8  }
0x9: {  	s4 =	sshll.u32 s7, $0x4;
	_ =	strace $0x8000004D;
	s10 =	ssub.s32 $0x2, s7  }
0xa: {  	s28 =	smul.u32 $0x27100, s7;
	s4 =	sor.u32 s1, s4;
	s26 =	sshrl.u32 s10, $0x1  }
0xb: {  	s7 =	sadd.s32 s11, s2;
	s15 =	sadd.s32 $0x19000, s11;
	s29 =	sshrl.u32 s13, $0x2  }
0xc: {  	s13 =	simm.s32 $0x1388;
	s8 =	smul.u32 $0x271, s4;
	s4 =	sadd.s32 $0x6800, s5  }
0xd: {  	s14 =	ssub.s32 s10, s26;
	s30 =	sadd.s32 s11, s28;
	s22 =	sadd.s32 s15, s2  }
0xe: {  	s10 =	sshrl.u32 s30, $0x3;
	s11 =	smax.u32 s14, $0x1;
	s14 =	simm.s32 $0x15F90  }
0xf: {  	s22 =	sshrl.u32 @!p0 s22, $0x3;
	s9 =	sadd.s32 s8, s5;
	s5 =	sadd.s32 s6, s8  }
0x10: {  	s8 =	sadd.s32 s28, s15;
	s6 =	sadd.s32 $0x1800, s9;
	s9 =	sadd.s32 s29, s2  }
0x11: {  	s15 =	simm.s32 $0xA00;
	s31 =	sshrl.u32 s8, $0x3;
	s8 =	sadd.s32 $0x19000, s9  }
0x12: {  	v0 =	vimm.f32 $0.0e+00;
	s9 =	sadd.s32 s12, s10;
	s10 =	sadd.s32 s12, s31;
	s12 =	simm.s32 $0x3  }
.LBB2_1:
0x13: {  	[tilespmem:s3], [sflag:$0x3] =	stream.linear.gather [hbm4b:s5+s3], $0x1388, $0x38;
	[tilespmem:$0x19FA0] =	vst v63  }
0x14: {  	_ =	swait.ge [sflag:s12], $0x1388  }
0x15: {  	[sflag:s12] =	ssyncset.done $0x0  }
0x16: {  	[sflag:s12] =	ssyncadd.s32 $0xFFFFEC78  }
0x17: {  	[tilespmem:s13], [sflag:$0x3] =	stream.linear.gather [hbm4b:s6+s3], $0x1388, $0x38;
	[tilespmem:$0x19FA0] =	vst v63  }
0x18: {  	_ =	swait.ge [sflag:s12], $0x1388  }
0x19: {  	[sflag:s12] =	ssyncset.done $0x0  }
0x1a: {  	s24 =	simm.s32 $0x0;
	s25 =	simm.s32 $0x200;
	[sflag:s12] =	ssyncadd.s32 $0xFFFFEC78  }
.LBB2_2:
0x1b: {  	p1 =	sne.s32 s25, $0x6200;
	[tilespmem:s24+$0x16000] =	vst v0  }
0x1c: {  	[tilespmem:s24+$0x15F90] =	vst v0  }
0x1d: {  	[tilespmem:s24+$0x15FA0] =	vst v0  }
.Ltmp0:
0x1e: {  	[tilespmem:s24+$0x15FB0] =	vst v0;
	(pc) =	sbr.rel @p1 .LBB2_2-.Ltmp0, $4  }
0x1f: {  	[tilespmem:s24+$0x15FC0] =	vst v0  }
0x20: {  	[tilespmem:s24+$0x15FD0] =	vst v0  }
0x21: {  	[tilespmem:s24+$0x15FE0] =	vst v0  }
0x22: {  	[tilespmem:s24+$0x15FF0] =	vst v0;
	s24 =	sshra.s32 s25, $0x2;
	s25 =	sadd.s32 $0x200, s25  }
0x23: {  	[tilespmem:s24+$0x16000] =	vst v0  }
0x24: {  	[tilespmem:s24+$0x15F90] =	vst v0  }
0x25: {  	[tilespmem:s24+$0x15FA0] =	vst v0  }
0x26: {  	[tilespmem:s24+$0x15FB0] =	vst v0  }
0x27: {  	[tilespmem:s24+$0x15FC0] =	vst v0  }
0x28: {  	[tilespmem:s24+$0x15FD0] =	vst v0  }
0x29: {  	[tilespmem:s24+$0x15FE0] =	vst v0  }
0x2a: {  	[tilespmem:s24+$0x15FF0] =	vst v0  }
0x2b: {  	[spmem:s7] =	stream.linear.scatter [tilespmem:s14], [sflag:$0x3], $0x1900, $0x38;
	[tilespmem:$0x19FA0] =	vst v63  }
0x2c: {  	_ =	swait.ge [sflag:s12], $0x1900  }
0x2d: {  	[sflag:s12] =	ssyncset.done $0x0  }
0x2e: {  	s24 =	simm.s32 @!p0 $0x15F90;
	[sflag:s12] =	ssyncadd.s32 $0xFFFFE700  }
0x2f: {  	[spmem:s8] =	stream.linear.scatter @!p0 [tilespmem:s24], [sflag:$0x3], $0x1900, $0x38;
	[tilespmem:$0x19FA0] =	vst v63  }
0x30: {  	s24 =	simm.s32 @!p0 $0x3  }
0x31: {  	_ =	swait.ge @!p0 [sflag:s24], $0x1900  }
0x32: {  	[sflag:s24] =	ssyncset.done @!p0 $0x0  }
0x33: {  	[sflag:s24] =	ssyncadd.s32 @!p0 $0xFFFFE700  }
0x34: {  	[bflag:$0x0] =	sbarrier.arrive $0xFFFF  }
0x35: {  	[tilespmem:s16], [sflag:$0x1] =	stream.indirect.gather [hbm4b:s4+s15], $0x10, s3, s15, $0xb8;
	[tilespmem:$0x19FA0] =	vst v63  }
0x36: {  	_ = 	snop  }
0x37: {  	[tilespmem:s18], [sflag:$0x2] =	stream.indirect.gather [hbm4b:s4+s17], $0x10, s15, s17, $0xb8;
	[tilespmem:$0x19FA0] =	vst v63  }
0x38: {  	_ =	swait.ge [sflag:s19], $0xA000  }
0x39: {  	[sflag:s19] =	ssyncset.done $0x0  }
0x3a: {  	[sflag:s19] =	ssyncadd.s32 $0xFFFF6000  }
0x3b: {  	[spmem:s2] =	stream.indirect.scatter.add.f32 [tilespmem:s16], [sflag:$0x3], $0x10, s13, s15, $0xb8;
	[tilespmem:$0x19FA0] =	vst v63  }
0x3c: {  	_ =	swait.ge [sflag:s12], $0xA000  }
0x3d: {  	[sflag:s12] =	ssyncset.done $0x0  }
0x3e: {  	[sflag:s12] =	ssyncadd.s32 $0xFFFF6000  }
0x3f: {  	_ =	swait.ge [sflag:s20], $0x9880  }
0x40: {  	[sflag:s20] =	ssyncset.done $0x0  }
0x41: {  	[sflag:s20] =	ssyncadd.s32 $0xFFFF6780  }
0x42: {  	[spmem:s2] =	stream.indirect.scatter.add.f32 [tilespmem:s18], [sflag:$0x3], $0x10, s21, s17, $0xb8;
	[tilespmem:$0x19FA0] =	vst v63  }
0x43: {  	_ =	swait.ge [sflag:s12], $0x9880  }
0x44: {  	[sflag:s12] =	ssyncset.done $0x0  }
0x45: {  	s25 =	sshll.u32 s1, $0x6;
	[sflag:s12] =	ssyncadd.s32 $0xFFFF6780  }
0x46: {  	s26 =	sshrl.u32 s7, $0x3;
	s25 =	sor.u32 $0x1C03, s25;
	[bflag:$0x0] =	sbarrier.arrive $0xFFFF  }
0x47: {  	[hbm:s9], [sflag:s25] =	dma.local [spmem:s26], $0x320  }
0x48: {  	s23 =	sadd.s32 $0x1, s23;
	_ =	swait.ge [sflag:s12], $0x320  }
0x49: {  	p1 =	sne.s32 s23, s11;
	[sflag:s12] =	ssyncset.done $0x0  }
.Ltmp1:
0x4a: {  	[sflag:s12] =	ssyncadd.s32 $0xFFFFFCE0;
	(pc) =	sbr.rel @p1 .LBB2_1-.Ltmp1, $4  }
0x4b: {  	[hbm:s10], [sflag:s25] =	dma.local @!p0 [spmem:s22], $0x320  }
0x4c: {  	_ =	swait.ge @!p0 [sflag:s24], $0x320  }
0x4d: {  	[sflag:s24] =	ssyncset.done @!p0 $0x0  }
0x4e: {  	[sflag:s24] =	ssyncadd.s32 @!p0 $0xFFFFFCE0  }
0x4f: {  	_ =	sfence.sel $0x180000  }
0x50: {  	[bflag:$0x0] =	sbarrier.arrive $0xFFFF  }
0x51: {  	p0 =	sne.s32 s1, $0x0;
	_ =	strace $0x9000004D  }
0x52: {  	s0 =	sadd.s32 @!p0 $0x100000, s0;
	[bflag:$0x2] =	sbarrier.arrive $0xFFFF  }
0x53: {  	[sflag:s0] =	ssyncadd.tile.s32 @!p0 $0x1;
	_ =	shalt  }
.Lfunc_end2:
_tile_overlayer_lowered:
.L_overlay_start_2:
0x54: {  	(tag) =	ssettag $0x2  }
0x55: {  	s0 =	rddreg [dreg:$0x0];
	s2 =	stileid.u32  }
0x56: {  	s1 =	rddreg [dreg:$0x1];
	p0 =	sne.s32 s2, $0x0  }
0x57: {  	s3 =	rddreg [dreg:$0x2];
	[bflag:$0x3] =	sbarrier.arrive $0xFFFF;
	s2 =	simm.s32 @!p0 $0x1C03  }
0x58: {  	[timem:s3], [sflag:s2] =	dma.local @!p0 [hbm:s0], s1  }
0x59: {  	s0 =	simm.s32 @!p0 $0x3  }
0x5a: {  	_ =	swait.ge @!p0 [sflag:s0], s1  }
0x5b: {  	s1 =	ssub.s32 @!p0 $0x0, s1;
	[sflag:s0] =	ssyncset.done @!p0 $0x0  }
0x5c: {  	[sflag:s0] =	ssyncadd.s32 @!p0 s1  }
0x5d: {  	[bflag:$0x3] =	sbarrier.arrive $0xFFFF  }
0x5e: {  	_ =	shalt  }

// kernel: kernel.8.cloned.1.call-start
scs
__scs_entry_jumppad:
0x0: {  	(pc) =	sbr.rel $0x88, $3  }
0x1: {  	(tag) =	ssettag $0x0;
	lr =	simm.s32 $0x1  }
0x2: {  	[smem:$0x3F9B] =	sst lr;
	_ =	strace $0xD0000000  }
0x3: {  	_ = 	snop  }
0x4: {  	_ = 	snop  }
0x5: {  	_ = 	snop  }
0x6: {  	_ = 	snop  }
0x7: {  	_ = 	snop  }
__scs_overlays_trampoline_lowered:
0x8: {  	[smem:$0x3FAA] =	sst s0  }
0x9: {  	[smem:$0x3FAB] =	sst s1  }
0xa: {  	[smem:$0x3FAC] =	sst s2  }
0xb: {  	[smem:$0x3FAD] =	sst s3  }
0xc: {  	[smem:$0x3FAE] =	sst s4  }
0xd: {  	[smem:$0x3FAF] =	sst s5  }
0xe: {  	[smem:$0x3FB0] =	sst s6  }
0xf: {  	[smem:$0x3FB1] =	sst s7  }
0x10: {  	[smem:$0x3FB2] =	sst s8  }
0x11: {  	[smem:$0x3FB3] =	sst s9;
	s0 =	simm.s32 @!p0 $0x0  }
0x12: {  	s1 =	sld [smem:$0x3F99];
	s0 =	simm.s32 @p0 $0x1  }
0x13: {  	[smem:$0x3FB4] =	sst s0;
	s0 =	simm.s32 @!p1 $0x0  }
0x14: {  	s2 =	sld [smem:$0x3F98];
	s0 =	simm.s32 @p1 $0x1  }
0x15: {  	[smem:$0x3FB5] =	sst s0;
	s0 =	simm.s32 @!p2 $0x0  }
0x16: {  	s3 =	sld [smem:$0x3FDB];
	s0 =	simm.s32 @p2 $0x1  }
0x17: {  	s4 =	simm.s32 $0x1BF5;
	[smem:$0x3FB7] =	sst s0  }
0x18: {  	s0 =	sld [smem:$0x3F9A];
	_ =	swait.ge [sflag:s4], $0x0  }
0x19: {  	s7 =	sld [smem:$0x3F9B]  }
0x1a: {  	s8 =	sadd.s32 $0xFFFFE003, lr  }
0x1b: {  	s9 =	sadd.s32 $0xFFFFFEF7, lr;
	s5 =	simm.s32 $0xFFFFFFFF;
	p2 =	slt.u32 s8, $0xFFFFF086  }
0x1c: {  	p1 =	slt.u32 s9, $0xF7A;
	s5 =	simm.s32 @!p2 $0x0  }
0x1d: {  	s5 =	simm.s32 @p1 $0x1;
	p0 =	seq.s32 s7, s2  }
0x1e: {  	s7 =	smul.u32 @!p0 $0xF7A, s2;
	p2 =	seq.s32 @!p0 s5, $0x0  }
0x1f: {  	s9 =	smul.u32 $0xF7A, s1;
	s8 =	simm.s32 @!p0 $0x1BF5;
	p2 =	por !p2, p0  }
0x20: {  	[sflag:s8] =	ssyncset.s32 @!p0 $0xFFFFF086;
	s6 =	sadd.s32 @!p0 s3, s7;
	s7 =	simm.s32 @!p0 $0x108  }
0x21: {  	s3 =	sadd.s32 s3, s9;
	s6 =	sadd.s32 @!p0 $0x88, s6;
	s7 =	simm.s32 @p2 $0x1082  }
0x22: {  	[simem:s7], [sflag:s8] =	dma.local @!p0 [hbm:s6], $0xF7A  }
0x23: {  	s9 =	sor.u32 $0xD0000000, s2;
	s6 =	simm.s32 $0x108;
	_ =	swait.ge @!p0 [sflag:s8], $0x0  }
0x24: {  	s3 =	sadd.s32 $0x88, s3;
	s6 =	simm.s32 @!p1 $0x1082;
	[sflag:s4] =	ssyncset.s32 $0xFFFFF086  }
0x25: {  	[simem:s6], [sflag:s4] =	dma.local [hbm:s3], $0xF7A  }
0x26: {  	[smem:$0x3F9B] =	sst s1;
	(tag) =	ssettag s2;
	_ =	strace s9  }
0x27: {  	s1 =	sld [smem:$0x3FAB]  }
0x28: {  	s2 =	sld [smem:$0x3FAC]  }
0x29: {  	s4 =	sld [smem:$0x3FAE]  }
0x2a: {  	p0 =	seq.s32 s5, $0x0;
	s5 =	sld [smem:$0x3FAF]  }
0x2b: {  	s6 =	sld [smem:$0x3FB0]  }
0x2c: {  	s7 =	sld [smem:$0x3FB1]  }
0x2d: {  	s3 =	simm.s32 $0x108;
	s8 =	sld [smem:$0x3FB2]  }
0x2e: {  	s3 =	simm.s32 @!p0 $0x1082;
	s9 =	sld [smem:$0x3FB3]  }
0x2f: {  	lr =	sadd.s32 s0, s3;
	s0 =	sld [smem:$0x3FAA]  }
0x30: {  	s3 =	sld [smem:$0x3FAD]  }
0x31: {  	[smem:$0x3FB6] =	sst s10  }
0x32: {  	s10 =	sld [smem:$0x3FB4];
	_ =	sdelay $0x3  }
0x33: {  	p0 =	seq.s32 s10, $0x1;
	s10 =	sld [smem:$0x3FB6];
	_ =	sdelay $0x3  }
0x34: {  	[smem:$0x3FB6] =	sst s10  }
0x35: {  	s10 =	sld [smem:$0x3FB5];
	_ =	sdelay $0x3  }
0x36: {  	p1 =	seq.s32 s10, $0x1;
	s10 =	sld [smem:$0x3FB6];
	_ =	sdelay $0x3  }
0x37: {  	[smem:$0x3FB6] =	sst s10  }
0x38: {  	s10 =	sld [smem:$0x3FB7]  }
0x39: {  	_ = 	snop;
	(pc) =	sbr.ind lr, $3  }
0x3a: {  	_ = 	snop  }
0x3b: {  	_ = 	snop  }
0x3c: {  	p2 =	seq.s32 s10, $0x1;
	s10 =	sld [smem:$0x3FB6]  }
0x3d: {  	_ =	shalt  }
0x3e: {  	_ =	shalt  }
0x3f: {  	_ =	shalt  }
0x40: {  	_ =	shalt  }
0x41: {  	_ =	shalt  }
0x42: {  	_ =	shalt  }
0x43: {  	_ =	shalt  }
0x44: {  	_ =	shalt  }
0x45: {  	_ =	shalt  }
0x46: {  	_ =	shalt  }
0x47: {  	_ =	shalt  }
0x48: {  	_ =	shalt  }
0x49: {  	_ =	shalt  }
0x4a: {  	_ =	shalt  }
0x4b: {  	_ =	shalt  }
0x4c: {  	_ =	shalt  }
0x4d: {  	_ =	shalt  }
0x4e: {  	_ =	shalt  }
0x4f: {  	_ =	shalt  }
0x50: {  	_ =	shalt  }
0x51: {  	_ =	shalt  }
0x52: {  	_ =	shalt  }
0x53: {  	_ =	shalt  }
0x54: {  	_ =	shalt  }
0x55: {  	_ =	shalt  }
0x56: {  	_ =	shalt  }
0x57: {  	_ =	shalt  }
0x58: {  	_ =	shalt  }
0x59: {  	_ =	shalt  }
0x5a: {  	_ =	shalt  }
0x5b: {  	_ =	shalt  }
0x5c: {  	_ =	shalt  }
0x5d: {  	_ =	shalt  }
0x5e: {  	_ =	shalt  }
0x5f: {  	_ =	shalt  }
0x60: {  	_ =	shalt  }
0x61: {  	_ =	shalt  }
0x62: {  	_ =	shalt  }
0x63: {  	_ =	shalt  }
0x64: {  	_ =	shalt  }
0x65: {  	_ =	shalt  }
0x66: {  	_ =	shalt  }
0x67: {  	_ =	shalt  }
0x68: {  	_ =	shalt  }
0x69: {  	_ =	shalt  }
0x6a: {  	_ =	shalt  }
0x6b: {  	_ =	shalt  }
0x6c: {  	_ =	shalt  }
0x6d: {  	_ =	shalt  }
0x6e: {  	_ =	shalt  }
0x6f: {  	_ =	shalt  }
0x70: {  	_ =	shalt  }
0x71: {  	_ =	shalt  }
0x72: {  	_ =	shalt  }
0x73: {  	_ =	shalt  }
0x74: {  	_ =	shalt  }
0x75: {  	_ =	shalt  }
0x76: {  	_ =	shalt  }
0x77: {  	_ =	shalt  }
0x78: {  	_ =	shalt  }
0x79: {  	_ =	shalt  }
0x7a: {  	_ =	shalt  }
0x7b: {  	_ =	shalt  }
0x7c: {  	_ =	shalt  }
0x7d: {  	_ =	shalt  }
0x7e: {  	_ =	shalt  }
0x7f: {  	_ =	shalt  }
0x80: {  	_ =	shalt  }
0x81: {  	_ =	shalt  }
0x82: {  	_ =	shalt  }
0x83: {  	_ =	shalt  }
0x84: {  	_ =	shalt  }
0x85: {  	_ =	shalt  }
0x86: {  	_ =	shalt  }
0x87: {  	_ =	shalt  }
.Lfunc_end0:
.L_simem_size_0:
called_computation_lowered:
.L_overlay_start_0:
0x88: {  	s2 =	sld [smem:$0x3FD9]  }
0x89: {  	s3 =	sld [smem:$0x3FFE];
	_ =	sdelay $0x1  }
0x8a: {  	s1 =	srdreg.scid  }
0x8b: {  	s0 =	sand.u32 $0x1, s1  }
0x8c: {  	s16 =	sshll.u32 s0, $0xA;
	s2 =	sadd.s32 s3, s2  }
0x8d: {  	s2 =	sadd.s32 s2, s16  }
0x8e: {  	[smem:$0x3FC2] =	sst s2  }
0x8f: {  	_ = 	snop  }
0x90: {  	(tm) =	ssettm $0x1  }
0x91: {  	s17 =	sld [smem:$0x3FFB];
	_ =	sdelay $0x3  }
0x92: {  	_ =	strace s17  }
0x93: {  	s2 =	sld [smem:$0x3FFC];
	_ =	sdelay $0x3  }
0x94: {  	_ =	strace s2  }
0x95: {  	s2 =	sld [smem:$0x3FFD];
	_ =	sdelay $0x3  }
0x96: {  	_ =	strace s2  }
0x97: {  	_ =	strace $0x8FFFFFFF  }
0x98: {  	s18 =	sld [smem:$0x3FDB];
	_ =	sdelay $0x1  }
0x99: {  	s19 =	simm.s32 $_scs_section_size  }
0x9a: {  	s4 =	simm.s32 $_size__tile_overlayer_lowered;
	s5 =	simm.s32 $_tile_overlayer_lowered  }
0x9b: {  	s22 =	simm.s32 $0x1BFF;
	s21 =	sshll.u32 s5, $0x1;
	s2 =	sadd.s32 s19, s18  }
0x9c: {  	s6 =	simm.s32 $0x0;
	s20 =	sshll.u32 s4, $0x1;
	s4 =	sadd.s32 s21, s2  }
0x9d: {  	[timem:s6], [sflag:s22] =	dma.local [hbm:s4], s20  }
0x9e: {  	_ =	swait.ge [sflag:s22], s20  }
0x9f: {  	s3 =	ssub.s32 $0x0, s20;
	[sflag:s22] =	ssyncset.done $0x0  }
0xa0: {  	[sflag:s22] =	ssyncadd.s32 s3;
	_ =	sdelay $0x1  }
0xa1: {  	s23 =	simm.s32 $0x1B8B  }
0xa2: {  	_ =	swait.ge [sflag:s23], $0x1  }
0xa3: {  	[sflag:s23] =	ssyncset.done $0x0  }
0xa4: {  	s25 =	simm.s32 $0x1B8E;
	s24 =	sld [smem:$0x3FFE];
	[sflag:s23] =	ssyncadd.s32 $0xFFFFFFFF  }
0xa5: {  	s26 =	simm.s32 $execute0_lowered;
	[smem:$0x3FD2] =	sst s25  }
0xa6: {  	s4 =	sshll.u32 s26, $0x1;
	_ =	strace $0x80000046;
	[dreg:$0x1] =	wrdreg $0xFFFFFFFF  }
0xa7: {  	s28 =	simm.s32 $_size_execute0_lowered;
	s2 =	sadd.s32 s2, s4;
	[dreg:$0x0] =	wrdreg $0x0  }
0xa8: {  	s4 =	sshll.u32 s28, $0x1;
	[dreg:$0x2] =	wrdreg s2  }
0xa9: {  	[dreg:$0x3] =	wrdreg s4  }
0xaa: {  	[dreg:$0x4] =	wrdreg $0xC0  }
0xab: {  	_ =	task [dreg:s6], $0x5FFFF  }
0xac: {  	[dreg:$0x1] =	wrdreg $0xFFFFFFFF  }
0xad: {  	[dreg:$0x0] =	wrdreg $0x60  }
0xae: {  	[dreg:$0x2] =	wrdreg s24  }
0xaf: {  	[dreg:$0x3] =	wrdreg $0x165080  }
0xb0: {  	[dreg:$0x4] =	wrdreg $0x9  }
0xb1: {  	_ =	task.clear_ibuf [dreg:s6], $0x5FFFF;
	_ =	strace $0x90000046  }
0xb2: {  	s29 =	simm.s32 $0x9;
	_ =	strace $0x80000048  }
0xb3: {  	_ =	swait.ge [sflag:s29], $0x1  }
0xb4: {  	[sflag:s29] =	ssyncadd.s32 $0xFFFFFFFF  }
0xb5: {  	_ =	strace $0x90000048  }
0xb6: {  	_ =	sfence  }
0xb7: {  	s30 =	sld [smem:$0x0];
	_ =	sdelay $0x2  }
0xb8: {  	s31 =	sshll.u32 s1, $0xD;
	s1 =	sshrl.u32 s1, $0x2  }
0xb9: {  	s3 =	sand.u32 $0x4000, s31;
	s1 =	sadd.s32 s1, s30  }
0xba: {  	s0 =	sor.u32 s3, s0;
	s1 =	sshll.u32 s1, $0x11  }
0xbb: {  	s0 =	sor.u32 s1, s0  }
0xbc: {  	s0 =	sadd.s32 $0x8F2B, s0  }
0xbd: {  	[sflag:s0] =	ssyncadd.remote.s32 $0x1  }
0xbe: {  	_ =	sfence.sel $0xFFFF  }
0xbf: {  	[dreg:$0x0] =	wrdreg $0xFFFFFFFF;
	(pc) =	sbr.abs _section_cstart, $3  }
0xc0: {  	[dreg:$0x1] =	wrdreg $0xFFFFFFFF  }
0xc1: {  	_ =	task.clear_ibuf [dreg:s6], $0x2FFFF;
	_ =	strace $0x9FFFFFFF  }
0xc2: {  	(tm) =	ssettm $0x7FFFFFFF  }
0xc3: {  	_ =	shalt  }
tec
execute0_lowered:
.L_overlay_start_1:
0x0: {  	(tag) =	ssettag $0x1  }
0x1: {  	s0 =	srdreg.scid;
	s4 =	rddreg [dreg:$0x0]  }
0x2: {  	s2 =	rddreg [dreg:$0x1];
	s1 =	stileid.u32  }
0x3: {  	s3 =	simm.s32 $0x0;
	s5 =	sand.u32 $0x1, s0;
	s0 =	rddreg [dreg:$0x2]  }
0x4: {  	s16 =	simm.s32 $0x0;
	[smem:$0x7FF] =	sst s3;
	s7 =	smul.u32 $0x1900, s1  }
0x5: {  	s9 =	smul.u32 $0x6400, s1;
	s10 =	sadd.s32 $0x6800, s4;
	p0 =	sgt.u32 s1, $0x8  }
0x6: {  	s13 =	sshll.u32 s1, $0x6;
	s6 =	sshll.u32 s5, $0x4;
	_ =	strace $0x80000047  }
0x7: {  	s8 =	ssub.s32 $0x2, s5;
	s11 =	smul.u32 $0x27100, s5;
	s13 =	sor.u32 $0x1C01, s13  }
0x8: {  	s6 =	sor.u32 s1, s6;
	s25 =	sshrl.u32 s8, $0x1;
	s26 =	sshrl.u32 s9, $0x2  }
0x9: {  	s29 =	sadd.s32 $0x19000, s7;
	s6 =	smul.u32 $0x271, s6;
	s12 =	ssub.s32 s8, s25  }
0xa: {  	s5 =	sadd.s32 s26, s2;
	s28 =	sadd.s32 s7, s11;
	s31 =	sadd.s32 s11, s29  }
0xb: {  	s15 =	sadd.s32 s29, s2;
	s11 =	simm.s32 $0x1;
	s5 =	sadd.s32 $0x19000, s5  }
0xc: {  	s30 =	sshrl.u32 s28, $0x3;
	s8 =	sshrl.u32 s31, $0x3;
	s9 =	smax.u32 s12, $0x1  }
0xd: {  	s12 =	simm.s32 $0x1388;
	s15 =	sshrl.u32 @!p0 s15, $0x3;
	s6 =	sadd.s32 s6, s4  }
0xe: {  	s4 =	sadd.s32 s7, s2;
	s7 =	sadd.s32 s10, s30;
	s8 =	sadd.s32 s10, s8  }
0xf: {  	v0 =	vimm.f32 $0.0e+00;
	v1 =	vimm.f32 $1.000000000e+00;
	s10 =	simm.s32 $0x14C08;
	s6 =	sadd.s32 $0x1800, s6;
	s14 =	sshrl.u32 s4, $0x3  }
.LBB2_1:
0x10: {  	s17 =	simm.s32 $0x0;
	s18 =	simm.s32 $0x200  }
.LBB2_2:
0x11: {  	p1 =	sne.s32 s18, $0x6200;
	[tilespmem:s17+$0x14C78] =	vst v0  }
0x12: {  	[tilespmem:s17+$0x14C08] =	vst v0  }
0x13: {  	[tilespmem:s17+$0x14C18] =	vst v0  }
.Ltmp0:
0x14: {  	[tilespmem:s17+$0x14C28] =	vst v0;
	(pc) =	sbr.rel @p1 .LBB2_2-.Ltmp0, $4  }
0x15: {  	[tilespmem:s17+$0x14C38] =	vst v0  }
0x16: {  	[tilespmem:s17+$0x14C48] =	vst v0  }
0x17: {  	[tilespmem:s17+$0x14C58] =	vst v0  }
0x18: {  	[tilespmem:s17+$0x14C68] =	vst v0;
	s17 =	sshra.s32 s18, $0x2;
	s18 =	sadd.s32 $0x200, s18  }
0x19: {  	[tilespmem:s17+$0x14C78] =	vst v0  }
0x1a: {  	[tilespmem:s17+$0x14C08] =	vst v0  }
0x1b: {  	[tilespmem:s17+$0x14C18] =	vst v0  }
0x1c: {  	[tilespmem:s17+$0x14C28] =	vst v0  }
0x1d: {  	[tilespmem:s17+$0x14C38] =	vst v0  }
0x1e: {  	[tilespmem:s17+$0x14C48] =	vst v0  }
0x1f: {  	[tilespmem:s17+$0x14C58] =	vst v0  }
0x20: {  	[tilespmem:s17+$0x14C68] =	vst v0  }
0x21: {  	[spmem:s4] =	stream.linear.scatter [tilespmem:s10], [sflag:$0x1], $0x1900, $0x38;
	[tilespmem:$0x18C18] =	vst v63  }
0x22: {  	_ =	swait.ge [sflag:s11], $0x1900  }
0x23: {  	[sflag:s11] =	ssyncset.done $0x0  }
0x24: {  	s17 =	simm.s32 @!p0 $0x14C08;
	[sflag:s11] =	ssyncadd.s32 $0xFFFFE700  }
0x25: {  	[spmem:s5] =	stream.linear.scatter @!p0 [tilespmem:s17], [sflag:$0x1], $0x1900, $0x38;
	[tilespmem:$0x18C18] =	vst v63  }
0x26: {  	s17 =	simm.s32 @!p0 $0x1  }
0x27: {  	_ =	swait.ge @!p0 [sflag:s17], $0x1900  }
0x28: {  	[sflag:s17] =	ssyncset.done @!p0 $0x0  }
0x29: {  	s18 =	simm.s32 $0x200;
	[sflag:s17] =	ssyncadd.s32 @!p0 $0xFFFFE700;
	s17 =	simm.s32 $0x0  }
.LBB2_4:
0x2a: {  	p1 =	sne.s32 s18, $0x4E000;
	[tilespmem:s17+$0x13F8] =	vst v1  }
0x2b: {  	[tilespmem:s17+$0x1388] =	vst v1  }
0x2c: {  	[tilespmem:s17+$0x1398] =	vst v1  }
.Ltmp1:
0x2d: {  	[tilespmem:s17+$0x13A8] =	vst v1;
	(pc) =	sbr.rel @p1 .LBB2_4-.Ltmp1, $4  }
0x2e: {  	[tilespmem:s17+$0x13B8] =	vst v1  }
0x2f: {  	[tilespmem:s17+$0x13C8] =	vst v1  }
0x30: {  	[tilespmem:s17+$0x13D8] =	vst v1  }
0x31: {  	[tilespmem:s17+$0x13E8] =	vst v1;
	s17 =	sshra.s32 s18, $0x2;
	s18 =	sadd.s32 $0x200, s18  }
0x32: {  	[tilespmem:s17+$0x13F8] =	vst v1  }
0x33: {  	[tilespmem:s17+$0x1388] =	vst v1  }
0x34: {  	[tilespmem:s17+$0x1398] =	vst v1  }
0x35: {  	[tilespmem:s17+$0x13A8] =	vst v1  }
0x36: {  	[tilespmem:s17+$0x13B8] =	vst v1  }
0x37: {  	[tilespmem:s17+$0x13C8] =	vst v1  }
0x38: {  	[tilespmem:s17+$0x13D8] =	vst v1  }
0x39: {  	[tilespmem:s17+$0x13E8] =	vst v1  }
0x3a: {  	[tilespmem:s3], [sflag:$0x1] =	stream.linear.gather [hbm4b:s6+s3], $0x1388, $0x38;
	[tilespmem:$0x18C18] =	vst v63  }
0x3b: {  	_ =	swait.ge [sflag:s11], $0x1388  }
0x3c: {  	[sflag:s11] =	ssyncset.done $0x0  }
0x3d: {  	[sflag:s11] =	ssyncadd.s32 $0xFFFFEC78  }
0x3e: {  	[bflag:$0x0] =	sbarrier.arrive $0xFFFF  }
0x3f: {  	[spmem:s2] =	stream.indirect.scatter.add.f32 [tilespmem:s12], [sflag:$0x1], $0x10, s3, s12, $0xb8;
	[tilespmem:$0x18C18] =	vst v63  }
0x40: {  	_ =	swait.ge [sflag:s11], $0x13880  }
0x41: {  	[sflag:s11] =	ssyncset.done $0x0  }
0x42: {  	[sflag:s11] =	ssyncadd.s32 $0xFFFEC780  }
0x43: {  	[bflag:$0x0] =	sbarrier.arrive $0xFFFF  }
0x44: {  	[hbm:s7], [sflag:s13] =	dma.local [spmem:s14], $0x320  }
0x45: {  	s16 =	sadd.s32 $0x1, s16;
	_ =	swait.ge [sflag:s11], $0x320  }
0x46: {  	p1 =	sne.s32 s16, s9;
	[sflag:s11] =	ssyncset.done $0x0  }
.Ltmp2:
0x47: {  	s17 =	simm.s32 @!p0 $0x1;
	[sflag:s11] =	ssyncadd.s32 $0xFFFFFCE0;
	(pc) =	sbr.rel @p1 .LBB2_1-.Ltmp2, $4  }
0x48: {  	[hbm:s8], [sflag:s13] =	dma.local @!p0 [spmem:s15], $0x320  }
0x49: {  	_ =	swait.ge @!p0 [sflag:s17], $0x320  }
0x4a: {  	[sflag:s17] =	ssyncset.done @!p0 $0x0  }
0x4b: {  	[sflag:s17] =	ssyncadd.s32 @!p0 $0xFFFFFCE0  }
0x4c: {  	_ =	sfence.sel $0x180000  }
0x4d: {  	[bflag:$0x0] =	sbarrier.arrive $0xFFFF  }
0x4e: {  	p0 =	sne.s32 s1, $0x0;
	_ =	strace $0x90000047  }
0x4f: {  	s0 =	sadd.s32 @!p0 $0x100000, s0;
	[bflag:$0x2] =	sbarrier.arrive $0xFFFF  }
0x50: {  	[sflag:s0] =	ssyncadd.tile.s32 @!p0 $0x1;
	_ =	shalt  }
.Lfunc_end2:
_tile_overlayer_lowered:
.L_overlay_start_2:
0x51: {  	(tag) =	ssettag $0x2  }
0x52: {  	s0 =	rddreg [dreg:$0x0];
	s2 =	stileid.u32  }
0x53: {  	s1 =	rddreg [dreg:$0x1];
	p0 =	sne.s32 s2, $0x0  }
0x54: {  	s3 =	rddreg [dreg:$0x2];
	[bflag:$0x3] =	sbarrier.arrive $0xFFFF;
	s2 =	simm.s32 @!p0 $0x1C01  }
0x55: {  	[timem:s3], [sflag:s2] =	dma.local @!p0 [hbm:s0], s1  }
0x56: {  	s0 =	simm.s32 @!p0 $0x1  }
0x57: {  	_ =	swait.ge @!p0 [sflag:s0], s1  }
0x58: {  	s1 =	ssub.s32 @!p0 $0x0, s1;
	[sflag:s0] =	ssyncset.done @!p0 $0x0  }
0x59: {  	[sflag:s0] =	ssyncadd.s32 @!p0 s1  }
0x5a: {  	[bflag:$0x3] =	sbarrier.arrive $0xFFFF  }
0x5b: {  	_ =	shalt  }

</sc_bundles>
